<compile_context>
chip_gen: v7x
topology: tpu7x:2x2x1
jax: 0.10.2.dev20260603
libtpu: 0.0.44.dev20260713+nightly
codegen_flags: <defaults>
</compile_context>

<pallas_src>
import functools

import jax
import jax.numpy as jnp
from jax import lax
from jax.experimental import pallas as pl
from jax.experimental.pallas import tpu as pltpu
from jax.experimental.pallas import tpu_sc as plsc

_CH = 40
_ZROWS = 8


_NBUF = 7


def _sc_aggregate(x, src, dst):
  n, d = x.shape
  e = src.shape[0]
  info = plsc.get_sparse_core_info()
  nc, ns = info.num_cores, info.num_subcores
  e_per_w = e // (nc * ns)
  n_chunks = e_per_w // _CH
  n_pad = -(-n // (8 * ns)) * (8 * ns)
  rows_per_s = n_pad // ns
  mesh = plsc.VectorSubcoreMesh(core_axis_name="c", subcore_axis_name="s")

  @functools.partial(
      pl.kernel,
      out_type=jax.ShapeDtypeStruct((nc, n_pad, d), jnp.float32),
      mesh=mesh,
      scratch_types=[
          pltpu.VMEM((e_per_w,), jnp.int32),
          pltpu.VMEM((_NBUF, _CH), jnp.int32),
          pltpu.VMEM((_NBUF, _CH, d), jnp.float32),
          pltpu.VMEM((_ZROWS, d), jnp.float32),
          pltpu.VMEM_SHARED((n_pad, d), jnp.float32),
          pltpu.SemaphoreType.DMA,
          pltpu.SemaphoreType.DMA,
          pltpu.SemaphoreType.DMA,
      ],
  )
  def k(x_hbm, src_hbm, dst_hbm, out_hbm, sidx_v, didx_v, rows_v, zb_v,
        acc_sh, sem_g, sem_i, sem_s):
    c = lax.axis_index("c")
    s = lax.axis_index("s")
    wid = c * ns + s
    base = wid * e_per_w

    pltpu.async_copy(src_hbm.at[pl.ds(base, e_per_w)], sidx_v, sem_g)

    def zb_body(i, _):
      zb_v[i // (d // 16), pl.ds((i % (d // 16)) * 16, 16)] = jnp.zeros(
          (16,), jnp.float32)
      return 0

    lax.fori_loop(0, _ZROWS * (d // 16), zb_body, 0)

    def zacc_body(t, _):
      pltpu.async_copy(zb_v, acc_sh.at[pl.ds(s * rows_per_s + t * _ZROWS,
                                             _ZROWS)], sem_s)
      return 0

    lax.fori_loop(0, rows_per_s // _ZROWS, zacc_body, 0)

    for j in range(_NBUF):
      pltpu.async_copy(dst_hbm.at[pl.ds(base + j * _CH, _CH)], didx_v.at[j],
                       sem_i)
    pltpu.make_async_copy(src_hbm.at[pl.ds(base, e_per_w)], sidx_v,
                          sem_g).wait()
    for j in range(_NBUF):
      pltpu.async_copy(x_hbm.at[sidx_v.at[pl.ds(j * _CH, _CH)]], rows_v.at[j],
                       sem_g)

    def zdrain_body(t, _):
      pltpu.make_async_copy(zb_v, acc_sh.at[pl.ds(s * rows_per_s + t * _ZROWS,
                                                  _ZROWS)], sem_s).wait()
      return 0

    lax.fori_loop(0, rows_per_s // _ZROWS, zdrain_body, 0)
    plsc.subcore_barrier()

    def body(j, _):
      b = lax.rem(j, _NBUF)
      bp = lax.rem(j + _NBUF - 1, _NBUF)

      @pl.when(j > 0)
      def _():
        pltpu.make_async_copy(rows_v.at[bp], acc_sh.at[didx_v.at[bp]],
                              sem_s).wait()

      @pl.when(jnp.logical_and(j > 0, j + _NBUF - 1 < n_chunks))
      def _():
        off = (j + _NBUF - 1) * _CH
        pltpu.async_copy(x_hbm.at[sidx_v.at[pl.ds(off, _CH)]], rows_v.at[bp],
                         sem_g)
        pltpu.async_copy(dst_hbm.at[pl.ds(base + off, _CH)], didx_v.at[bp],
                         sem_i)

      pltpu.make_async_copy(dst_hbm.at[pl.ds(base, _CH)], didx_v.at[b],
                            sem_i).wait()
      pltpu.make_async_copy(x_hbm.at[sidx_v.at[pl.ds(j * _CH, _CH)]],
                            rows_v.at[b], sem_g).wait()
      pltpu.async_copy(rows_v.at[b], acc_sh.at[didx_v.at[b]], sem_s, add=True)
      return 0

    lax.fori_loop(0, n_chunks, body, 0)
    lastb = (n_chunks - 1) % _NBUF
    pltpu.make_async_copy(rows_v.at[lastb], acc_sh.at[didx_v.at[lastb]],
                          sem_s).wait()
    plsc.subcore_barrier()
    pltpu.sync_copy(acc_sh.at[pl.ds(s * rows_per_s, rows_per_s)],
                    out_hbm.at[c, pl.ds(s * rows_per_s, rows_per_s)])

  return k(x, src, dst)


def _tc_combine_matmul_relu(partials, weight, n):
  nc, _, d = partials.shape
  d_out = weight.shape[1]
  rows = 2000

  def body(p_ref, w_ref, o_ref):
    a = p_ref[0]
    for i in range(1, nc):
      a = a + p_ref[i]
    o_ref[...] = jnp.maximum(
        jnp.dot(a, w_ref[...], preferred_element_type=jnp.float32), 0.0)

  return pl.pallas_call(
      body,
      grid=(n // rows,),
      in_specs=[
          pl.BlockSpec((nc, rows, d), lambda i: (0, i, 0)),
          pl.BlockSpec((d, d_out), lambda i: (0, 0)),
      ],
      out_specs=pl.BlockSpec((rows, d_out), lambda i: (i, 0)),
      out_shape=jax.ShapeDtypeStruct((n, d_out), jnp.float32),
  )(partials, weight)


def kernel(input, adj, weight):
  src = adj[0].astype(jnp.int32)
  dst = adj[1].astype(jnp.int32)
  partials = _sc_aggregate(input, src, dst)
  return _tc_combine_matmul_relu(partials, weight, input.shape[0])

# --- scband reference (transcript-rebuilt; emitter-appended) ---
"""Pipeline reference for scband-graph-convolution-20100446945335 (READ-ONLY COPY).

The authoritative reference and input builder live on the scoring server;
editing this copy changes nothing except your own understanding.
"""

import jax, jax.numpy as jnp
import numpy as np

N_NODES = 10000
N_EDGES = 320000
D_IN = 128
D_OUT = 128


def setup_inputs(seed: int = 0) -> dict:
    key = jax.random.key(seed)
    k1, k2, k3 = jax.random.split(key, 3)
    x = jax.random.normal(k1, (N_NODES, D_IN), dtype=jnp.float32)
    # COO edge indices encoding the sparse adjacency (unit edge values)
    adj = jax.random.randint(k2, (2, N_EDGES), 0, N_NODES, dtype=jnp.int64)
    # xavier_uniform init for weight [D_IN, D_OUT]
    limit = float(np.sqrt(6.0 / (D_IN + D_OUT)))
    weight = jax.random.uniform(k3, (D_IN, D_OUT), dtype=jnp.float32, minval=-limit, maxval=limit)
    return {"input": x, "adj": adj, "weight": weight}


def reference(input, adj, weight):
    # eval-mode dropout is identity
    support = jnp.dot(input, weight)  # [N, D_OUT]
    src = adj[0]
    dst = adj[1]
    # sparse adj (unit values) @ support == scatter-add of gathered rows
    gathered = jnp.take(support, src, axis=0)  # gather [E, D_OUT]
    out = jax.ops.segment_sum(gathered, dst, num_segments=input.shape[0])
    return jax.nn.relu(out)

if __name__ == "__main__":
    import jax
    _d = setup_inputs()
    print(jax.jit(kernel)(*tuple(_d.values())))

</pallas_src>

<mosaic_0001>
#map = affine_map<(d0, d1) -> (0, 0)>
#map1 = affine_map<(d0, d1) -> (0)>
#map2 = affine_map<(d0, d1) -> (0, 0, 0)>
module attributes {stable_mosaic.version = 14 : i64} {
  func.func @k(%arg0: i32, %arg1: i32, %arg2: memref<10000x128xf32, #tpu.memory_space<hbm>>, %arg3: memref<320000xi32, #tpu.memory_space<hbm>>, %arg4: memref<320000xi32, #tpu.memory_space<hbm>>, %arg5: memref<2x10112x128xf32, #tpu.memory_space<hbm>>, %arg6: memref<10000xi32, #tpu.memory_space<vmem>>, %arg7: memref<7x40xi32, #tpu.memory_space<vmem>>, %arg8: memref<7x40x128xf32, #tpu.memory_space<vmem>>, %arg9: memref<8x128xf32, #tpu.memory_space<vmem>>, %arg10: memref<10112x128xf32, #tpu.memory_space<vmem_shared>>, %arg11: memref<!tpu.dma_semaphore, #tpu.memory_space<semaphore_mem>>, %arg12: memref<!tpu.dma_semaphore, #tpu.memory_space<semaphore_mem>>, %arg13: memref<!tpu.dma_semaphore, #tpu.memory_space<semaphore_mem>>) attributes {dimension_semantics = [#tpu.dimension_semantics<core_parallel>, #tpu.dimension_semantics<subcore_parallel>], iteration_bounds = array<i64: 2, 16>, scalar_prefetch = 0 : i64, scratch_operands = 8 : i64, tpu.core_type = #tpu.core_type<sc_vector_subcore>, window_params = [{transform_indices = #map}, {transform_indices = #map1}, {transform_indices = #map1}, {transform_indices = #map2}]} {
    %mul3A = arith.constant 16 : i32
    %mul3A_0 = arith.muli %arg0, %mul3A : i32
    %add3A = arith.addi %mul3A_0, %arg1 : i32
    %mul3A_1 = arith.constant 10000 : i32
    %mul3A_2 = arith.muli %add3A, %mul3A_1 : i32
    %dma_start3A = tpu.memref_slice %arg3[%mul3A_2] : memref<320000xi32, #tpu.memory_space<hbm>> -> memref<10000xi32, #tpu.memory_space<hbm>>
    %dma_start3A_3 = tpu.memref_slice %arg3[%mul3A_2] : memref<320000xi32, #tpu.memory_space<hbm>> -> memref<10000xi32, #tpu.memory_space<hbm>>
    tpu.enqueue_dma source(%dma_start3A_3 : memref<10000xi32, #tpu.memory_space<hbm>>) target(%arg6 : memref<10000xi32, #tpu.memory_space<vmem>>) target_semaphore(%arg11 : memref<!tpu.dma_semaphore, #tpu.memory_space<semaphore_mem>>)
    %scan3A = arith.constant 0 : i32
    %scan3A_4 = arith.constant 0 : i32
    %scan3A_5 = arith.constant 64 : i32
    %scan3A_6 = arith.addi %scan3A_4, %scan3A_5 : i32
    %scan3A_7 = arith.constant 1 : i32
    %scan3A_8 = scf.for %scan3A_196 = %scan3A_4 to %scan3A_6 step %scan3A_7 iter_args(%scan3A_197 = %scan3A) -> (i32)  : i32 {
      %broadcast_in_dim3A = arith.constant 0.000000e+00 : f32
      %broadcast_in_dim3A_198 = vector.broadcast %broadcast_in_dim3A : f32 to vector<16xf32>
      %jit3A = arith.constant 8 : i32
      %div3A = arith.divsi %scan3A_196, %jit3A : i32
      %sign3A = arith.constant 0 : i32
      %sign3A_199 = arith.cmpi sgt, %scan3A_196, %sign3A : i32
      %sign3A_200 = arith.extui %sign3A_199 : i1 to i32
      %sign3A_201 = arith.constant 0 : i32
      %sign3A_202 = arith.cmpi slt, %scan3A_196, %sign3A_201 : i32
      %sign3A_203 = arith.extui %sign3A_202 : i1 to i32
      %sign3A_204 = arith.subi %sign3A_200, %sign3A_203 : i32
      %sign3A_205 = arith.constant 0 : i32
      %sign3A_206 = arith.cmpi sgt, %jit3A, %sign3A_205 : i32
      %sign3A_207 = arith.extui %sign3A_206 : i1 to i32
      %sign3A_208 = arith.constant 0 : i32
      %sign3A_209 = arith.cmpi slt, %jit3A, %sign3A_208 : i32
      %sign3A_210 = arith.extui %sign3A_209 : i1 to i32
      %sign3A_211 = arith.subi %sign3A_207, %sign3A_210 : i32
      %ne3A = arith.cmpi ne, %sign3A_204, %sign3A_211 : i32
      %rem3A = arith.remsi %scan3A_196, %jit3A : i32
      %ne3A_212 = arith.constant 0 : i32
      %ne3A_213 = arith.cmpi ne, %rem3A, %ne3A_212 : i32
      %and3A = arith.andi %ne3A, %ne3A_213 : i1
      %sub3A = arith.constant 1 : i32
      %sub3A_214 = arith.subi %div3A, %sub3A : i32
      %select_n3A = arith.select %and3A, %sub3A_214, %div3A : i32
      %jit3A_215 = arith.constant 8 : i32
      %eq3A = arith.constant 0 : i32
      %eq3A_216 = arith.cmpi eq, %jit3A_215, %eq3A : i32
      %jit3A_217 = arith.constant 1 : i32
      %select_n3A_218 = arith.select %eq3A_216, %jit3A_217, %jit3A_215 : i32
      %rem3A_219 = arith.remsi %scan3A_196, %select_n3A_218 : i32
      %ne3A_220 = arith.constant 0 : i32
      %ne3A_221 = arith.cmpi ne, %rem3A_219, %ne3A_220 : i32
      %lt3A = arith.constant 0 : i32
      %lt3A_222 = arith.cmpi slt, %rem3A_219, %lt3A : i32
      %lt3A_223 = arith.constant 0 : i32
      %lt3A_224 = arith.cmpi slt, %select_n3A_218, %lt3A_223 : i32
      %ne3A_225 = arith.xori %lt3A_222, %lt3A_224 : i1
      %and3A_226 = arith.andi %ne3A_225, %ne3A_221 : i1
      %add3A_227 = arith.addi %rem3A_219, %select_n3A_218 : i32
      %select_n3A_228 = arith.select %and3A_226, %add3A_227, %rem3A_219 : i32
      %mul3A_229 = arith.constant 16 : i32
      %mul3A_230 = arith.muli %select_n3A_228, %mul3A_229 : i32
      %swap3A = arith.index_cast %select_n3A : i32 to index
      %swap3A_231 = arith.index_cast %mul3A_230 : i32 to index
      %swap3A_232 = tpu.vector_load %arg9[%swap3A, %swap3A_231] {strides = array<i32>} : memref<8x128xf32, #tpu.memory_space<vmem>>, vector<1x16xf32>,
      %swap3A_233 = vector.shape_cast %swap3A_232 : vector<1x16xf32> to vector<16xf32>
      %swap3A_234 = vector.shape_cast %broadcast_in_dim3A_198 : vector<16xf32> to vector<1x16xf32>
      tpu.vector_store %arg9[%swap3A, %swap3A_231], %swap3A_234 {strides = array<i32>} : memref<8x128xf32, #tpu.memory_space<vmem>>, vector<1x16xf32>,
      %scan3A_235 = arith.constant 0 : i32
      scf.yield %scan3A_235 : i32
    }
    %scan3A_9 = arith.constant 64 : i32
    %scan3A_10 = arith.constant 0 : i32
    %scan3A_11 = arith.constant 0 : i32
    %scan3A_12 = arith.constant 79 : i32
    %scan3A_13 = arith.addi %scan3A_11, %scan3A_12 : i32
    %scan3A_14 = arith.constant 1 : i32
    %scan3A_15 = scf.for %scan3A_196 = %scan3A_11 to %scan3A_13 step %scan3A_14 iter_args(%scan3A_197 = %scan3A_10) -> (i32)  : i32 {
      %mul3A_198 = arith.constant 632 : i32
      %mul3A_199 = arith.muli %arg1, %mul3A_198 : i32
      %mul3A_200 = arith.constant 8 : i32
      %mul3A_201 = arith.muli %scan3A_196, %mul3A_200 : i32
      %add3A_202 = arith.addi %mul3A_199, %mul3A_201 : i32
      %dma_start3A_203 = arith.constant 0 : i32
      %dma_start3A_204 = tpu.memref_slice %arg10[%add3A_202, %dma_start3A_203] : memref<10112x128xf32, #tpu.memory_space<vmem_shared>> -> memref<8x128xf32, #tpu.memory_space<vmem_shared>>
      %dma_start3A_205 = arith.constant 0 : i32
      %dma_start3A_206 = tpu.memref_slice %arg10[%add3A_202, %dma_start3A_205] : memref<10112x128xf32, #tpu.memory_space<vmem_shared>> -> memref<8x128xf32, #tpu.memory_space<vmem_shared>>
      tpu.enqueue_dma source(%arg9 : memref<8x128xf32, #tpu.memory_space<vmem>>) target(%dma_start3A_206 : memref<8x128xf32, #tpu.memory_space<vmem_shared>>) target_semaphore(%arg13 : memref<!tpu.dma_semaphore, #tpu.memory_space<semaphore_mem>>)
      %scan3A_207 = arith.constant 0 : i32
      scf.yield %scan3A_207 : i32
    }
    %scan3A_16 = arith.constant 79 : i32
    %add3A_17 = arith.constant 0 : i32
    %add3A_18 = arith.addi %mul3A_2, %add3A_17 : i32
    %dma_start3A_19 = arith.constant 0 : i32
    %dma_start3A_20 = arith.constant 0 : i32
    %dma_start3A_21 = tpu.memref_slice %arg7[%dma_start3A_19, %dma_start3A_20] : memref<7x40xi32, #tpu.memory_space<vmem>> -> memref<1x40xi32, #tpu.memory_space<vmem>>
    %dma_start3A_22 = tpu.memref_squeeze %dma_start3A_21 : memref<1x40xi32, #tpu.memory_space<vmem>> -> memref<40xi32, #tpu.memory_space<vmem>>
    %dma_start3A_23 = tpu.memref_slice %arg4[%add3A_18] : memref<320000xi32, #tpu.memory_space<hbm>> -> memref<40xi32, #tpu.memory_space<hbm>>
    %dma_start3A_24 = arith.constant 0 : i32
    %dma_start3A_25 = tpu.memref_slice %arg7[%dma_start3A_19, %dma_start3A_24] : memref<7x40xi32, #tpu.memory_space<vmem>> -> memref<1x40xi32, #tpu.memory_space<vmem>>
    %dma_start3A_26 = tpu.memref_squeeze %dma_start3A_25 : memref<1x40xi32, #tpu.memory_space<vmem>> -> memref<40xi32, #tpu.memory_space<vmem>>
    %dma_start3A_27 = tpu.memref_slice %arg4[%add3A_18] : memref<320000xi32, #tpu.memory_space<hbm>> -> memref<40xi32, #tpu.memory_space<hbm>>
    tpu.enqueue_dma source(%dma_start3A_27 : memref<40xi32, #tpu.memory_space<hbm>>) target(%dma_start3A_26 : memref<40xi32, #tpu.memory_space<vmem>>) target_semaphore(%arg12 : memref<!tpu.dma_semaphore, #tpu.memory_space<semaphore_mem>>)
    %add3A_28 = arith.constant 40 : i32
    %add3A_29 = arith.addi %mul3A_2, %add3A_28 : i32
    %dma_start3A_30 = arith.constant 1 : i32
    %dma_start3A_31 = arith.constant 0 : i32
    %dma_start3A_32 = tpu.memref_slice %arg7[%dma_start3A_30, %dma_start3A_31] : memref<7x40xi32, #tpu.memory_space<vmem>> -> memref<1x40xi32, #tpu.memory_space<vmem>>
    %dma_start3A_33 = tpu.memref_squeeze %dma_start3A_32 : memref<1x40xi32, #tpu.memory_space<vmem>> -> memref<40xi32, #tpu.memory_space<vmem>>
    %dma_start3A_34 = tpu.memref_slice %arg4[%add3A_29] : memref<320000xi32, #tpu.memory_space<hbm>> -> memref<40xi32, #tpu.memory_space<hbm>>
    %dma_start3A_35 = arith.constant 0 : i32
    %dma_start3A_36 = tpu.memref_slice %arg7[%dma_start3A_30, %dma_start3A_35] : memref<7x40xi32, #tpu.memory_space<vmem>> -> memref<1x40xi32, #tpu.memory_space<vmem>>
    %dma_start3A_37 = tpu.memref_squeeze %dma_start3A_36 : memref<1x40xi32, #tpu.memory_space<vmem>> -> memref<40xi32, #tpu.memory_space<vmem>>
    %dma_start3A_38 = tpu.memref_slice %arg4[%add3A_29] : memref<320000xi32, #tpu.memory_space<hbm>> -> memref<40xi32, #tpu.memory_space<hbm>>
    tpu.enqueue_dma source(%dma_start3A_38 : memref<40xi32, #tpu.memory_space<hbm>>) target(%dma_start3A_37 : memref<40xi32, #tpu.memory_space<vmem>>) target_semaphore(%arg12 : memref<!tpu.dma_semaphore, #tpu.memory_space<semaphore_mem>>)
    %add3A_39 = arith.constant 80 : i32
    %add3A_40 = arith.addi %mul3A_2, %add3A_39 : i32
    %dma_start3A_41 = arith.constant 2 : i32
    %dma_start3A_42 = arith.constant 0 : i32
    %dma_start3A_43 = tpu.memref_slice %arg7[%dma_start3A_41, %dma_start3A_42] : memref<7x40xi32, #tpu.memory_space<vmem>> -> memref<1x40xi32, #tpu.memory_space<vmem>>
    %dma_start3A_44 = tpu.memref_squeeze %dma_start3A_43 : memref<1x40xi32, #tpu.memory_space<vmem>> -> memref<40xi32, #tpu.memory_space<vmem>>
    %dma_start3A_45 = tpu.memref_slice %arg4[%add3A_40] : memref<320000xi32, #tpu.memory_space<hbm>> -> memref<40xi32, #tpu.memory_space<hbm>>
    %dma_start3A_46 = arith.constant 0 : i32
    %dma_start3A_47 = tpu.memref_slice %arg7[%dma_start3A_41, %dma_start3A_46] : memref<7x40xi32, #tpu.memory_space<vmem>> -> memref<1x40xi32, #tpu.memory_space<vmem>>
    %dma_start3A_48 = tpu.memref_squeeze %dma_start3A_47 : memref<1x40xi32, #tpu.memory_space<vmem>> -> memref<40xi32, #tpu.memory_space<vmem>>
    %dma_start3A_49 = tpu.memref_slice %arg4[%add3A_40] : memref<320000xi32, #tpu.memory_space<hbm>> -> memref<40xi32, #tpu.memory_space<hbm>>
    tpu.enqueue_dma source(%dma_start3A_49 : memref<40xi32, #tpu.memory_space<hbm>>) target(%dma_start3A_48 : memref<40xi32, #tpu.memory_space<vmem>>) target_semaphore(%arg12 : memref<!tpu.dma_semaphore, #tpu.memory_space<semaphore_mem>>)
    %add3A_50 = arith.constant 120 : i32
    %add3A_51 = arith.addi %mul3A_2, %add3A_50 : i32
    %dma_start3A_52 = arith.constant 3 : i32
    %dma_start3A_53 = arith.constant 0 : i32
    %dma_start3A_54 = tpu.memref_slice %arg7[%dma_start3A_52, %dma_start3A_53] : memref<7x40xi32, #tpu.memory_space<vmem>> -> memref<1x40xi32, #tpu.memory_space<vmem>>
    %dma_start3A_55 = tpu.memref_squeeze %dma_start3A_54 : memref<1x40xi32, #tpu.memory_space<vmem>> -> memref<40xi32, #tpu.memory_space<vmem>>
    %dma_start3A_56 = tpu.memref_slice %arg4[%add3A_51] : memref<320000xi32, #tpu.memory_space<hbm>> -> memref<40xi32, #tpu.memory_space<hbm>>
    %dma_start3A_57 = arith.constant 0 : i32
    %dma_start3A_58 = tpu.memref_slice %arg7[%dma_start3A_52, %dma_start3A_57] : memref<7x40xi32, #tpu.memory_space<vmem>> -> memref<1x40xi32, #tpu.memory_space<vmem>>
    %dma_start3A_59 = tpu.memref_squeeze %dma_start3A_58 : memref<1x40xi32, #tpu.memory_space<vmem>> -> memref<40xi32, #tpu.memory_space<vmem>>
    %dma_start3A_60 = tpu.memref_slice %arg4[%add3A_51] : memref<320000xi32, #tpu.memory_space<hbm>> -> memref<40xi32, #tpu.memory_space<hbm>>
    tpu.enqueue_dma source(%dma_start3A_60 : memref<40xi32, #tpu.memory_space<hbm>>) target(%dma_start3A_59 : memref<40xi32, #tpu.memory_space<vmem>>) target_semaphore(%arg12 : memref<!tpu.dma_semaphore, #tpu.memory_space<semaphore_mem>>)
    %add3A_61 = arith.constant 160 : i32
    %add3A_62 = arith.addi %mul3A_2, %add3A_61 : i32
    %dma_start3A_63 = arith.constant 4 : i32
    %dma_start3A_64 = arith.constant 0 : i32
    %dma_start3A_65 = tpu.memref_slice %arg7[%dma_start3A_63, %dma_start3A_64] : memref<7x40xi32, #tpu.memory_space<vmem>> -> memref<1x40xi32, #tpu.memory_space<vmem>>
    %dma_start3A_66 = tpu.memref_squeeze %dma_start3A_65 : memref<1x40xi32, #tpu.memory_space<vmem>> -> memref<40xi32, #tpu.memory_space<vmem>>
    %dma_start3A_67 = tpu.memref_slice %arg4[%add3A_62] : memref<320000xi32, #tpu.memory_space<hbm>> -> memref<40xi32, #tpu.memory_space<hbm>>
    %dma_start3A_68 = arith.constant 0 : i32
    %dma_start3A_69 = tpu.memref_slice %arg7[%dma_start3A_63, %dma_start3A_68] : memref<7x40xi32, #tpu.memory_space<vmem>> -> memref<1x40xi32, #tpu.memory_space<vmem>>
    %dma_start3A_70 = tpu.memref_squeeze %dma_start3A_69 : memref<1x40xi32, #tpu.memory_space<vmem>> -> memref<40xi32, #tpu.memory_space<vmem>>
    %dma_start3A_71 = tpu.memref_slice %arg4[%add3A_62] : memref<320000xi32, #tpu.memory_space<hbm>> -> memref<40xi32, #tpu.memory_space<hbm>>
    tpu.enqueue_dma source(%dma_start3A_71 : memref<40xi32, #tpu.memory_space<hbm>>) target(%dma_start3A_70 : memref<40xi32, #tpu.memory_space<vmem>>) target_semaphore(%arg12 : memref<!tpu.dma_semaphore, #tpu.memory_space<semaphore_mem>>)
    %add3A_72 = arith.constant 200 : i32
    %add3A_73 = arith.addi %mul3A_2, %add3A_72 : i32
    %dma_start3A_74 = arith.constant 5 : i32
    %dma_start3A_75 = arith.constant 0 : i32
    %dma_start3A_76 = tpu.memref_slice %arg7[%dma_start3A_74, %dma_start3A_75] : memref<7x40xi32, #tpu.memory_space<vmem>> -> memref<1x40xi32, #tpu.memory_space<vmem>>
    %dma_start3A_77 = tpu.memref_squeeze %dma_start3A_76 : memref<1x40xi32, #tpu.memory_space<vmem>> -> memref<40xi32, #tpu.memory_space<vmem>>
    %dma_start3A_78 = tpu.memref_slice %arg4[%add3A_73] : memref<320000xi32, #tpu.memory_space<hbm>> -> memref<40xi32, #tpu.memory_space<hbm>>
    %dma_start3A_79 = arith.constant 0 : i32
    %dma_start3A_80 = tpu.memref_slice %arg7[%dma_start3A_74, %dma_start3A_79] : memref<7x40xi32, #tpu.memory_space<vmem>> -> memref<1x40xi32, #tpu.memory_space<vmem>>
    %dma_start3A_81 = tpu.memref_squeeze %dma_start3A_80 : memref<1x40xi32, #tpu.memory_space<vmem>> -> memref<40xi32, #tpu.memory_space<vmem>>
    %dma_start3A_82 = tpu.memref_slice %arg4[%add3A_73] : memref<320000xi32, #tpu.memory_space<hbm>> -> memref<40xi32, #tpu.memory_space<hbm>>
    tpu.enqueue_dma source(%dma_start3A_82 : memref<40xi32, #tpu.memory_space<hbm>>) target(%dma_start3A_81 : memref<40xi32, #tpu.memory_space<vmem>>) target_semaphore(%arg12 : memref<!tpu.dma_semaphore, #tpu.memory_space<semaphore_mem>>)
    %add3A_83 = arith.constant 240 : i32
    %add3A_84 = arith.addi %mul3A_2, %add3A_83 : i32
    %dma_start3A_85 = arith.constant 6 : i32
    %dma_start3A_86 = arith.constant 0 : i32
    %dma_start3A_87 = tpu.memref_slice %arg7[%dma_start3A_85, %dma_start3A_86] : memref<7x40xi32, #tpu.memory_space<vmem>> -> memref<1x40xi32, #tpu.memory_space<vmem>>
    %dma_start3A_88 = tpu.memref_squeeze %dma_start3A_87 : memref<1x40xi32, #tpu.memory_space<vmem>> -> memref<40xi32, #tpu.memory_space<vmem>>
    %dma_start3A_89 = tpu.memref_slice %arg4[%add3A_84] : memref<320000xi32, #tpu.memory_space<hbm>> -> memref<40xi32, #tpu.memory_space<hbm>>
    %dma_start3A_90 = arith.constant 0 : i32
    %dma_start3A_91 = tpu.memref_slice %arg7[%dma_start3A_85, %dma_start3A_90] : memref<7x40xi32, #tpu.memory_space<vmem>> -> memref<1x40xi32, #tpu.memory_space<vmem>>
    %dma_start3A_92 = tpu.memref_squeeze %dma_start3A_91 : memref<1x40xi32, #tpu.memory_space<vmem>> -> memref<40xi32, #tpu.memory_space<vmem>>
    %dma_start3A_93 = tpu.memref_slice %arg4[%add3A_84] : memref<320000xi32, #tpu.memory_space<hbm>> -> memref<40xi32, #tpu.memory_space<hbm>>
    tpu.enqueue_dma source(%dma_start3A_93 : memref<40xi32, #tpu.memory_space<hbm>>) target(%dma_start3A_92 : memref<40xi32, #tpu.memory_space<vmem>>) target_semaphore(%arg12 : memref<!tpu.dma_semaphore, #tpu.memory_space<semaphore_mem>>)
    %dma_wait3A = tpu.memref_slice %arg3[%mul3A_2] : memref<320000xi32, #tpu.memory_space<hbm>> -> memref<10000xi32, #tpu.memory_space<hbm>>
    %dma_wait3A_94 = tpu.memref_slice %arg3[%mul3A_2] : memref<320000xi32, #tpu.memory_space<hbm>> -> memref<10000xi32, #tpu.memory_space<hbm>>
    tpu.wait_dma2 semaphore(%arg11 : memref<!tpu.dma_semaphore, #tpu.memory_space<semaphore_mem>>) src(%dma_wait3A_94 : memref<10000xi32, #tpu.memory_space<hbm>>) dst(%arg6 : memref<10000xi32, #tpu.memory_space<vmem>>)
    %dma_start3A_95 = arith.constant 0 : i32
    %dma_start3A_96 = arith.constant 0 : i32
    %dma_start3A_97 = arith.constant 0 : i32
    %dma_start3A_98 = tpu.memref_slice %arg8[%dma_start3A_95, %dma_start3A_96, %dma_start3A_97] : memref<7x40x128xf32, #tpu.memory_space<vmem>> -> memref<1x40x128xf32, #tpu.memory_space<vmem>>
    %dma_start3A_99 = tpu.memref_squeeze %dma_start3A_98 : memref<1x40x128xf32, #tpu.memory_space<vmem>> -> memref<40x128xf32, #tpu.memory_space<vmem>>
    %dma_start3A_100 = arith.constant 0 : i32
    %dma_start3A_101 = tpu.memref_slice %arg6[%dma_start3A_100] : memref<10000xi32, #tpu.memory_space<vmem>> -> memref<40xi32, #tpu.memory_space<vmem>>
    %dma_start3A_102 = arith.constant 0 : i32
    %dma_start3A_103 = arith.constant 0 : i32
    %dma_start3A_104 = tpu.memref_slice %arg2[%dma_start3A_102, %dma_start3A_103] : memref<10000x128xf32, #tpu.memory_space<hbm>> -> memref<10000x128xf32, #tpu.memory_space<hbm>>
    tpu.enqueue_indirect_dma source(%dma_start3A_104 : memref<10000x128xf32, #tpu.memory_space<hbm>>) target(%dma_start3A_99 : memref<40x128xf32, #tpu.memory_space<vmem>>) offsets(%dma_start3A_101 : memref<40xi32, #tpu.memory_space<vmem>>) semaphore(%arg11 : memref<!tpu.dma_semaphore, #tpu.memory_space<semaphore_mem>>)
    %dma_start3A_105 = arith.constant 1 : i32
    %dma_start3A_106 = arith.constant 0 : i32
    %dma_start3A_107 = arith.constant 0 : i32
    %dma_start3A_108 = tpu.memref_slice %arg8[%dma_start3A_105, %dma_start3A_106, %dma_start3A_107] : memref<7x40x128xf32, #tpu.memory_space<vmem>> -> memref<1x40x128xf32, #tpu.memory_space<vmem>>
    %dma_start3A_109 = tpu.memref_squeeze %dma_start3A_108 : memref<1x40x128xf32, #tpu.memory_space<vmem>> -> memref<40x128xf32, #tpu.memory_space<vmem>>
    %dma_start3A_110 = arith.constant 40 : i32
    %dma_start3A_111 = tpu.memref_slice %arg6[%dma_start3A_110] : memref<10000xi32, #tpu.memory_space<vmem>> -> memref<40xi32, #tpu.memory_space<vmem>>
    %dma_start3A_112 = arith.constant 0 : i32
    %dma_start3A_113 = arith.constant 0 : i32
    %dma_start3A_114 = tpu.memref_slice %arg2[%dma_start3A_112, %dma_start3A_113] : memref<10000x128xf32, #tpu.memory_space<hbm>> -> memref<10000x128xf32, #tpu.memory_space<hbm>>
    tpu.enqueue_indirect_dma source(%dma_start3A_114 : memref<10000x128xf32, #tpu.memory_space<hbm>>) target(%dma_start3A_109 : memref<40x128xf32, #tpu.memory_space<vmem>>) offsets(%dma_start3A_111 : memref<40xi32, #tpu.memory_space<vmem>>) semaphore(%arg11 : memref<!tpu.dma_semaphore, #tpu.memory_space<semaphore_mem>>)
    %dma_start3A_115 = arith.constant 2 : i32
    %dma_start3A_116 = arith.constant 0 : i32
    %dma_start3A_117 = arith.constant 0 : i32
    %dma_start3A_118 = tpu.memref_slice %arg8[%dma_start3A_115, %dma_start3A_116, %dma_start3A_117] : memref<7x40x128xf32, #tpu.memory_space<vmem>> -> memref<1x40x128xf32, #tpu.memory_space<vmem>>
    %dma_start3A_119 = tpu.memref_squeeze %dma_start3A_118 : memref<1x40x128xf32, #tpu.memory_space<vmem>> -> memref<40x128xf32, #tpu.memory_space<vmem>>
    %dma_start3A_120 = arith.constant 80 : i32
    %dma_start3A_121 = tpu.memref_slice %arg6[%dma_start3A_120] : memref<10000xi32, #tpu.memory_space<vmem>> -> memref<40xi32, #tpu.memory_space<vmem>>
    %dma_start3A_122 = arith.constant 0 : i32
    %dma_start3A_123 = arith.constant 0 : i32
    %dma_start3A_124 = tpu.memref_slice %arg2[%dma_start3A_122, %dma_start3A_123] : memref<10000x128xf32, #tpu.memory_space<hbm>> -> memref<10000x128xf32, #tpu.memory_space<hbm>>
    tpu.enqueue_indirect_dma source(%dma_start3A_124 : memref<10000x128xf32, #tpu.memory_space<hbm>>) target(%dma_start3A_119 : memref<40x128xf32, #tpu.memory_space<vmem>>) offsets(%dma_start3A_121 : memref<40xi32, #tpu.memory_space<vmem>>) semaphore(%arg11 : memref<!tpu.dma_semaphore, #tpu.memory_space<semaphore_mem>>)
    %dma_start3A_125 = arith.constant 3 : i32
    %dma_start3A_126 = arith.constant 0 : i32
    %dma_start3A_127 = arith.constant 0 : i32
    %dma_start3A_128 = tpu.memref_slice %arg8[%dma_start3A_125, %dma_start3A_126, %dma_start3A_127] : memref<7x40x128xf32, #tpu.memory_space<vmem>> -> memref<1x40x128xf32, #tpu.memory_space<vmem>>
    %dma_start3A_129 = tpu.memref_squeeze %dma_start3A_128 : memref<1x40x128xf32, #tpu.memory_space<vmem>> -> memref<40x128xf32, #tpu.memory_space<vmem>>
    %dma_start3A_130 = arith.constant 120 : i32
    %dma_start3A_131 = tpu.memref_slice %arg6[%dma_start3A_130] : memref<10000xi32, #tpu.memory_space<vmem>> -> memref<40xi32, #tpu.memory_space<vmem>>
    %dma_start3A_132 = arith.constant 0 : i32
    %dma_start3A_133 = arith.constant 0 : i32
    %dma_start3A_134 = tpu.memref_slice %arg2[%dma_start3A_132, %dma_start3A_133] : memref<10000x128xf32, #tpu.memory_space<hbm>> -> memref<10000x128xf32, #tpu.memory_space<hbm>>
    tpu.enqueue_indirect_dma source(%dma_start3A_134 : memref<10000x128xf32, #tpu.memory_space<hbm>>) target(%dma_start3A_129 : memref<40x128xf32, #tpu.memory_space<vmem>>) offsets(%dma_start3A_131 : memref<40xi32, #tpu.memory_space<vmem>>) semaphore(%arg11 : memref<!tpu.dma_semaphore, #tpu.memory_space<semaphore_mem>>)
    %dma_start3A_135 = arith.constant 4 : i32
    %dma_start3A_136 = arith.constant 0 : i32
    %dma_start3A_137 = arith.constant 0 : i32
    %dma_start3A_138 = tpu.memref_slice %arg8[%dma_start3A_135, %dma_start3A_136, %dma_start3A_137] : memref<7x40x128xf32, #tpu.memory_space<vmem>> -> memref<1x40x128xf32, #tpu.memory_space<vmem>>
    %dma_start3A_139 = tpu.memref_squeeze %dma_start3A_138 : memref<1x40x128xf32, #tpu.memory_space<vmem>> -> memref<40x128xf32, #tpu.memory_space<vmem>>
    %dma_start3A_140 = arith.constant 160 : i32
    %dma_start3A_141 = tpu.memref_slice %arg6[%dma_start3A_140] : memref<10000xi32, #tpu.memory_space<vmem>> -> memref<40xi32, #tpu.memory_space<vmem>>
    %dma_start3A_142 = arith.constant 0 : i32
    %dma_start3A_143 = arith.constant 0 : i32
    %dma_start3A_144 = tpu.memref_slice %arg2[%dma_start3A_142, %dma_start3A_143] : memref<10000x128xf32, #tpu.memory_space<hbm>> -> memref<10000x128xf32, #tpu.memory_space<hbm>>
    tpu.enqueue_indirect_dma source(%dma_start3A_144 : memref<10000x128xf32, #tpu.memory_space<hbm>>) target(%dma_start3A_139 : memref<40x128xf32, #tpu.memory_space<vmem>>) offsets(%dma_start3A_141 : memref<40xi32, #tpu.memory_space<vmem>>) semaphore(%arg11 : memref<!tpu.dma_semaphore, #tpu.memory_space<semaphore_mem>>)
    %dma_start3A_145 = arith.constant 5 : i32
    %dma_start3A_146 = arith.constant 0 : i32
    %dma_start3A_147 = arith.constant 0 : i32
    %dma_start3A_148 = tpu.memref_slice %arg8[%dma_start3A_145, %dma_start3A_146, %dma_start3A_147] : memref<7x40x128xf32, #tpu.memory_space<vmem>> -> memref<1x40x128xf32, #tpu.memory_space<vmem>>
    %dma_start3A_149 = tpu.memref_squeeze %dma_start3A_148 : memref<1x40x128xf32, #tpu.memory_space<vmem>> -> memref<40x128xf32, #tpu.memory_space<vmem>>
    %dma_start3A_150 = arith.constant 200 : i32
    %dma_start3A_151 = tpu.memref_slice %arg6[%dma_start3A_150] : memref<10000xi32, #tpu.memory_space<vmem>> -> memref<40xi32, #tpu.memory_space<vmem>>
    %dma_start3A_152 = arith.constant 0 : i32
    %dma_start3A_153 = arith.constant 0 : i32
    %dma_start3A_154 = tpu.memref_slice %arg2[%dma_start3A_152, %dma_start3A_153] : memref<10000x128xf32, #tpu.memory_space<hbm>> -> memref<10000x128xf32, #tpu.memory_space<hbm>>
    tpu.enqueue_indirect_dma source(%dma_start3A_154 : memref<10000x128xf32, #tpu.memory_space<hbm>>) target(%dma_start3A_149 : memref<40x128xf32, #tpu.memory_space<vmem>>) offsets(%dma_start3A_151 : memref<40xi32, #tpu.memory_space<vmem>>) semaphore(%arg11 : memref<!tpu.dma_semaphore, #tpu.memory_space<semaphore_mem>>)
    %dma_start3A_155 = arith.constant 6 : i32
    %dma_start3A_156 = arith.constant 0 : i32
    %dma_start3A_157 = arith.constant 0 : i32
    %dma_start3A_158 = tpu.memref_slice %arg8[%dma_start3A_155, %dma_start3A_156, %dma_start3A_157] : memref<7x40x128xf32, #tpu.memory_space<vmem>> -> memref<1x40x128xf32, #tpu.memory_space<vmem>>
    %dma_start3A_159 = tpu.memref_squeeze %dma_start3A_158 : memref<1x40x128xf32, #tpu.memory_space<vmem>> -> memref<40x128xf32, #tpu.memory_space<vmem>>
    %dma_start3A_160 = arith.constant 240 : i32
    %dma_start3A_161 = tpu.memref_slice %arg6[%dma_start3A_160] : memref<10000xi32, #tpu.memory_space<vmem>> -> memref<40xi32, #tpu.memory_space<vmem>>
    %dma_start3A_162 = arith.constant 0 : i32
    %dma_start3A_163 = arith.constant 0 : i32
    %dma_start3A_164 = tpu.memref_slice %arg2[%dma_start3A_162, %dma_start3A_163] : memref<10000x128xf32, #tpu.memory_space<hbm>> -> memref<10000x128xf32, #tpu.memory_space<hbm>>
    tpu.enqueue_indirect_dma source(%dma_start3A_164 : memref<10000x128xf32, #tpu.memory_space<hbm>>) target(%dma_start3A_159 : memref<40x128xf32, #tpu.memory_space<vmem>>) offsets(%dma_start3A_161 : memref<40xi32, #tpu.memory_space<vmem>>) semaphore(%arg11 : memref<!tpu.dma_semaphore, #tpu.memory_space<semaphore_mem>>)
    %scan3A_165 = arith.constant 0 : i32
    %scan3A_166 = arith.constant 0 : i32
    %scan3A_167 = arith.constant 79 : i32
    %scan3A_168 = arith.addi %scan3A_166, %scan3A_167 : i32
    %scan3A_169 = arith.constant 1 : i32
    %scan3A_170 = scf.for %scan3A_196 = %scan3A_166 to %scan3A_168 step %scan3A_169 iter_args(%scan3A_197 = %scan3A_165) -> (i32)  : i32 {
      %mul3A_198 = arith.constant 632 : i32
      %mul3A_199 = arith.muli %arg1, %mul3A_198 : i32
      %mul3A_200 = arith.constant 8 : i32
      %mul3A_201 = arith.muli %scan3A_196, %mul3A_200 : i32
      %add3A_202 = arith.addi %mul3A_199, %mul3A_201 : i32
      %dma_wait3A_203 = arith.constant 0 : i32
      %dma_wait3A_204 = tpu.memref_slice %arg10[%add3A_202, %dma_wait3A_203] : memref<10112x128xf32, #tpu.memory_space<vmem_shared>> -> memref<8x128xf32, #tpu.memory_space<vmem_shared>>
      %dma_wait3A_205 = arith.constant 0 : i32
      %dma_wait3A_206 = tpu.memref_slice %arg10[%add3A_202, %dma_wait3A_205] : memref<10112x128xf32, #tpu.memory_space<vmem_shared>> -> memref<8x128xf32, #tpu.memory_space<vmem_shared>>
      tpu.wait_dma2 semaphore(%arg13 : memref<!tpu.dma_semaphore, #tpu.memory_space<semaphore_mem>>) src(%arg9 : memref<8x128xf32, #tpu.memory_space<vmem>>) dst(%dma_wait3A_206 : memref<8x128xf32, #tpu.memory_space<vmem_shared>>)
      %scan3A_207 = arith.constant 0 : i32
      scf.yield %scan3A_207 : i32
    }
    %scan3A_171 = arith.constant 79 : i32
    %barrier3A = arith.constant 0 : index
    tpu.barrier barrier_id(%barrier3A)
    %scan3A_172 = arith.constant 0 : i32
    %scan3A_173 = arith.constant 0 : i32
    %scan3A_174 = arith.constant 250 : i32
    %scan3A_175 = arith.addi %scan3A_173, %scan3A_174 : i32
    %scan3A_176 = arith.constant 1 : i32
    %scan3A_177 = scf.for %scan3A_196 = %scan3A_173 to %scan3A_175 step %scan3A_176 iter_args(%scan3A_197 = %scan3A_172) -> (i32)  : i32 {
      %rem3A = arith.constant 7 : i32
      %rem3A_198 = arith.remsi %scan3A_196, %rem3A : i32
      %add3A_199 = arith.constant 7 : i32
      %add3A_200 = arith.addi %scan3A_196, %add3A_199 : i32
      %sub3A = arith.constant 1 : i32
      %sub3A_201 = arith.subi %add3A_200, %sub3A : i32
      %rem3A_202 = arith.constant 7 : i32
      %rem3A_203 = arith.remsi %sub3A_201, %rem3A_202 : i32
      %gt3A = arith.constant 0 : i32
      %gt3A_204 = arith.cmpi sgt, %scan3A_196, %gt3A : i32
      %convert_element_type3A = arith.extui %gt3A_204 : i1 to i32
      %cond3A = arith.constant 0 : i32
      %cond3A_205 = arith.cmpi ne, %convert_element_type3A, %cond3A : i32
      scf.if %cond3A_205 {
        %dma_wait3A_245 = arith.constant 0 : i32
        %dma_wait3A_246 = arith.constant 0 : i32
        %dma_wait3A_247 = tpu.memref_slice %arg8[%rem3A_203, %dma_wait3A_245, %dma_wait3A_246] : memref<7x40x128xf32, #tpu.memory_space<vmem>> -> memref<1x40x128xf32, #tpu.memory_space<vmem>>
        %dma_wait3A_248 = tpu.memref_squeeze %dma_wait3A_247 : memref<1x40x128xf32, #tpu.memory_space<vmem>> -> memref<40x128xf32, #tpu.memory_space<vmem>>
        %dma_wait3A_249 = arith.constant 0 : i32
        %dma_wait3A_250 = tpu.memref_slice %arg7[%rem3A_203, %dma_wait3A_249] : memref<7x40xi32, #tpu.memory_space<vmem>> -> memref<1x40xi32, #tpu.memory_space<vmem>>
        %dma_wait3A_251 = tpu.memref_squeeze %dma_wait3A_250 : memref<1x40xi32, #tpu.memory_space<vmem>> -> memref<40xi32, #tpu.memory_space<vmem>>
        %dma_wait3A_252 = arith.constant 0 : i32
        %dma_wait3A_253 = arith.constant 0 : i32
        %dma_wait3A_254 = tpu.memref_slice %arg10[%dma_wait3A_252, %dma_wait3A_253] : memref<10112x128xf32, #tpu.memory_space<vmem_shared>> -> memref<10112x128xf32, #tpu.memory_space<vmem_shared>>
        tpu.wait_indirect_dma semaphore(%arg13 : memref<!tpu.dma_semaphore, #tpu.memory_space<semaphore_mem>>) src(%dma_wait3A_248 : memref<40x128xf32, #tpu.memory_space<vmem>>) dst(%dma_wait3A_254 : memref<10112x128xf32, #tpu.memory_space<vmem_shared>>)
      } else {
      }
      %gt3A_206 = arith.constant 0 : i32
      %gt3A_207 = arith.cmpi sgt, %scan3A_196, %gt3A_206 : i32
      %add3A_208 = arith.constant 7 : i32
      %add3A_209 = arith.addi %scan3A_196, %add3A_208 : i32
      %sub3A_210 = arith.constant 1 : i32
      %sub3A_211 = arith.subi %add3A_209, %sub3A_210 : i32
      %lt3A = arith.constant 250 : i32
      %lt3A_212 = arith.cmpi slt, %sub3A_211, %lt3A : i32
      %and3A = arith.andi %gt3A_207, %lt3A_212 : i1
      %convert_element_type3A_213 = arith.extui %and3A : i1 to i32
      %cond3A_214 = arith.constant 0 : i32
      %cond3A_215 = arith.cmpi ne, %convert_element_type3A_213, %cond3A_214 : i32
      scf.if %cond3A_215 {
        %add3A_245 = arith.constant 7 : i32
        %add3A_246 = arith.addi %scan3A_196, %add3A_245 : i32
        %sub3A_247 = arith.constant 1 : i32
        %sub3A_248 = arith.subi %add3A_246, %sub3A_247 : i32
        %mul3A_249 = arith.constant 40 : i32
        %mul3A_250 = arith.muli %sub3A_248, %mul3A_249 : i32
        %dma_start3A_251 = arith.constant 0 : i32
        %dma_start3A_252 = arith.constant 0 : i32
        %dma_start3A_253 = tpu.memref_slice %arg8[%rem3A_203, %dma_start3A_251, %dma_start3A_252] : memref<7x40x128xf32, #tpu.memory_space<vmem>> -> memref<1x40x128xf32, #tpu.memory_space<vmem>>
        %dma_start3A_254 = tpu.memref_squeeze %dma_start3A_253 : memref<1x40x128xf32, #tpu.memory_space<vmem>> -> memref<40x128xf32, #tpu.memory_space<vmem>>
        %dma_start3A_255 = tpu.memref_slice %arg6[%mul3A_250] : memref<10000xi32, #tpu.memory_space<vmem>> -> memref<40xi32, #tpu.memory_space<vmem>>
        %dma_start3A_256 = arith.constant 0 : i32
        %dma_start3A_257 = arith.constant 0 : i32
        %dma_start3A_258 = tpu.memref_slice %arg2[%dma_start3A_256, %dma_start3A_257] : memref<10000x128xf32, #tpu.memory_space<hbm>> -> memref<10000x128xf32, #tpu.memory_space<hbm>>
        tpu.enqueue_indirect_dma source(%dma_start3A_258 : memref<10000x128xf32, #tpu.memory_space<hbm>>) target(%dma_start3A_254 : memref<40x128xf32, #tpu.memory_space<vmem>>) offsets(%dma_start3A_255 : memref<40xi32, #tpu.memory_space<vmem>>) semaphore(%arg11 : memref<!tpu.dma_semaphore, #tpu.memory_space<semaphore_mem>>)
        %add3A_259 = arith.addi %mul3A_2, %mul3A_250 : i32
        %dma_start3A_260 = arith.constant 0 : i32
        %dma_start3A_261 = tpu.memref_slice %arg7[%rem3A_203, %dma_start3A_260] : memref<7x40xi32, #tpu.memory_space<vmem>> -> memref<1x40xi32, #tpu.memory_space<vmem>>
        %dma_start3A_262 = tpu.memref_squeeze %dma_start3A_261 : memref<1x40xi32, #tpu.memory_space<vmem>> -> memref<40xi32, #tpu.memory_space<vmem>>
        %dma_start3A_263 = tpu.memref_slice %arg4[%add3A_259] : memref<320000xi32, #tpu.memory_space<hbm>> -> memref<40xi32, #tpu.memory_space<hbm>>
        %dma_start3A_264 = arith.constant 0 : i32
        %dma_start3A_265 = tpu.memref_slice %arg7[%rem3A_203, %dma_start3A_264] : memref<7x40xi32, #tpu.memory_space<vmem>> -> memref<1x40xi32, #tpu.memory_space<vmem>>
        %dma_start3A_266 = tpu.memref_squeeze %dma_start3A_265 : memref<1x40xi32, #tpu.memory_space<vmem>> -> memref<40xi32, #tpu.memory_space<vmem>>
        %dma_start3A_267 = tpu.memref_slice %arg4[%add3A_259] : memref<320000xi32, #tpu.memory_space<hbm>> -> memref<40xi32, #tpu.memory_space<hbm>>
        tpu.enqueue_dma source(%dma_start3A_267 : memref<40xi32, #tpu.memory_space<hbm>>) target(%dma_start3A_266 : memref<40xi32, #tpu.memory_space<vmem>>) target_semaphore(%arg12 : memref<!tpu.dma_semaphore, #tpu.memory_space<semaphore_mem>>)
      } else {
      }
      %dma_wait3A_216 = arith.constant 0 : i32
      %dma_wait3A_217 = tpu.memref_slice %arg7[%rem3A_198, %dma_wait3A_216] : memref<7x40xi32, #tpu.memory_space<vmem>> -> memref<1x40xi32, #tpu.memory_space<vmem>>
      %dma_wait3A_218 = tpu.memref_squeeze %dma_wait3A_217 : memref<1x40xi32, #tpu.memory_space<vmem>> -> memref<40xi32, #tpu.memory_space<vmem>>
      %dma_wait3A_219 = tpu.memref_slice %arg4[%mul3A_2] : memref<320000xi32, #tpu.memory_space<hbm>> -> memref<40xi32, #tpu.memory_space<hbm>>
      %dma_wait3A_220 = arith.constant 0 : i32
      %dma_wait3A_221 = tpu.memref_slice %arg7[%rem3A_198, %dma_wait3A_220] : memref<7x40xi32, #tpu.memory_space<vmem>> -> memref<1x40xi32, #tpu.memory_space<vmem>>
      %dma_wait3A_222 = tpu.memref_squeeze %dma_wait3A_221 : memref<1x40xi32, #tpu.memory_space<vmem>> -> memref<40xi32, #tpu.memory_space<vmem>>
      %dma_wait3A_223 = tpu.memref_slice %arg4[%mul3A_2] : memref<320000xi32, #tpu.memory_space<hbm>> -> memref<40xi32, #tpu.memory_space<hbm>>
      tpu.wait_dma2 semaphore(%arg12 : memref<!tpu.dma_semaphore, #tpu.memory_space<semaphore_mem>>) src(%dma_wait3A_223 : memref<40xi32, #tpu.memory_space<hbm>>) dst(%dma_wait3A_222 : memref<40xi32, #tpu.memory_space<vmem>>)
      %mul3A_224 = arith.constant 40 : i32
      %mul3A_225 = arith.muli %scan3A_196, %mul3A_224 : i32
      %dma_wait3A_226 = arith.constant 0 : i32
      %dma_wait3A_227 = arith.constant 0 : i32
      %dma_wait3A_228 = tpu.memref_slice %arg8[%rem3A_198, %dma_wait3A_226, %dma_wait3A_227] : memref<7x40x128xf32, #tpu.memory_space<vmem>> -> memref<1x40x128xf32, #tpu.memory_space<vmem>>
      %dma_wait3A_229 = tpu.memref_squeeze %dma_wait3A_228 : memref<1x40x128xf32, #tpu.memory_space<vmem>> -> memref<40x128xf32, #tpu.memory_space<vmem>>
      %dma_wait3A_230 = tpu.memref_slice %arg6[%mul3A_225] : memref<10000xi32, #tpu.memory_space<vmem>> -> memref<40xi32, #tpu.memory_space<vmem>>
      %dma_wait3A_231 = arith.constant 0 : i32
      %dma_wait3A_232 = arith.constant 0 : i32
      %dma_wait3A_233 = tpu.memref_slice %arg2[%dma_wait3A_231, %dma_wait3A_232] : memref<10000x128xf32, #tpu.memory_space<hbm>> -> memref<10000x128xf32, #tpu.memory_space<hbm>>
      tpu.wait_indirect_dma semaphore(%arg11 : memref<!tpu.dma_semaphore, #tpu.memory_space<semaphore_mem>>) src(%dma_wait3A_233 : memref<10000x128xf32, #tpu.memory_space<hbm>>) dst(%dma_wait3A_229 : memref<40x128xf32, #tpu.memory_space<vmem>>)
      %dma_start3A_234 = arith.constant 0 : i32
      %dma_start3A_235 = arith.constant 0 : i32
      %dma_start3A_236 = tpu.memref_slice %arg8[%rem3A_198, %dma_start3A_234, %dma_start3A_235] : memref<7x40x128xf32, #tpu.memory_space<vmem>> -> memref<1x40x128xf32, #tpu.memory_space<vmem>>
      %dma_start3A_237 = tpu.memref_squeeze %dma_start3A_236 : memref<1x40x128xf32, #tpu.memory_space<vmem>> -> memref<40x128xf32, #tpu.memory_space<vmem>>
      %dma_start3A_238 = arith.constant 0 : i32
      %dma_start3A_239 = tpu.memref_slice %arg7[%rem3A_198, %dma_start3A_238] : memref<7x40xi32, #tpu.memory_space<vmem>> -> memref<1x40xi32, #tpu.memory_space<vmem>>
      %dma_start3A_240 = tpu.memref_squeeze %dma_start3A_239 : memref<1x40xi32, #tpu.memory_space<vmem>> -> memref<40xi32, #tpu.memory_space<vmem>>
      %dma_start3A_241 = arith.constant 0 : i32
      %dma_start3A_242 = arith.constant 0 : i32
      %dma_start3A_243 = tpu.memref_slice %arg10[%dma_start3A_241, %dma_start3A_242] : memref<10112x128xf32, #tpu.memory_space<vmem_shared>> -> memref<10112x128xf32, #tpu.memory_space<vmem_shared>>
      tpu.enqueue_indirect_dma source(%dma_start3A_237 : memref<40x128xf32, #tpu.memory_space<vmem>>) target(%dma_start3A_243 : memref<10112x128xf32, #tpu.memory_space<vmem_shared>>) offsets(%dma_start3A_240 : memref<40xi32, #tpu.memory_space<vmem>>) semaphore(%arg13 : memref<!tpu.dma_semaphore, #tpu.memory_space<semaphore_mem>>) {add = true}
      %scan3A_244 = arith.constant 0 : i32
      scf.yield %scan3A_244 : i32
    }
    %scan3A_178 = arith.constant 250 : i32
    %dma_wait3A_179 = arith.constant 4 : i32
    %dma_wait3A_180 = arith.constant 4 : i32
    %dma_wait3A_181 = arith.constant 0 : i32
    %dma_wait3A_182 = arith.constant 0 : i32
    %dma_wait3A_183 = tpu.memref_slice %arg8[%dma_wait3A_179, %dma_wait3A_181, %dma_wait3A_182] : memref<7x40x128xf32, #tpu.memory_space<vmem>> -> memref<1x40x128xf32, #tpu.memory_space<vmem>>
    %dma_wait3A_184 = tpu.memref_squeeze %dma_wait3A_183 : memref<1x40x128xf32, #tpu.memory_space<vmem>> -> memref<40x128xf32, #tpu.memory_space<vmem>>
    %dma_wait3A_185 = arith.constant 0 : i32
    %dma_wait3A_186 = tpu.memref_slice %arg7[%dma_wait3A_180, %dma_wait3A_185] : memref<7x40xi32, #tpu.memory_space<vmem>> -> memref<1x40xi32, #tpu.memory_space<vmem>>
    %dma_wait3A_187 = tpu.memref_squeeze %dma_wait3A_186 : memref<1x40xi32, #tpu.memory_space<vmem>> -> memref<40xi32, #tpu.memory_space<vmem>>
    %dma_wait3A_188 = arith.constant 0 : i32
    %dma_wait3A_189 = arith.constant 0 : i32
    %dma_wait3A_190 = tpu.memref_slice %arg10[%dma_wait3A_188, %dma_wait3A_189] : memref<10112x128xf32, #tpu.memory_space<vmem_shared>> -> memref<10112x128xf32, #tpu.memory_space<vmem_shared>>
    tpu.wait_indirect_dma semaphore(%arg13 : memref<!tpu.dma_semaphore, #tpu.memory_space<semaphore_mem>>) src(%dma_wait3A_184 : memref<40x128xf32, #tpu.memory_space<vmem>>) dst(%dma_wait3A_190 : memref<10112x128xf32, #tpu.memory_space<vmem_shared>>)
    %barrier3A_191 = arith.constant 0 : index
    tpu.barrier barrier_id(%barrier3A_191)
    %mul3A_192 = arith.constant 632 : i32
    %mul3A_193 = arith.muli %arg1, %mul3A_192 : i32
    %mul3A_194 = arith.constant 632 : i32
    %mul3A_195 = arith.muli %arg1, %mul3A_194 : i32
    "tpu.region"() ({
      %run_scoped3A = tpu.sem_alloc : memref<!tpu.dma_semaphore, #tpu.memory_space<semaphore_mem>>
      %dma_start3A_196 = arith.constant 0 : i32
      %dma_start3A_197 = tpu.memref_slice %arg5[%arg0, %mul3A_195, %dma_start3A_196] : memref<2x10112x128xf32, #tpu.memory_space<hbm>> -> memref<1x632x128xf32, #tpu.memory_space<hbm>>
      %dma_start3A_198 = tpu.memref_squeeze %dma_start3A_197 : memref<1x632x128xf32, #tpu.memory_space<hbm>> -> memref<632x128xf32, #tpu.memory_space<hbm>>
      %dma_start3A_199 = arith.constant 0 : i32
      %dma_start3A_200 = tpu.memref_slice %arg10[%mul3A_193, %dma_start3A_199] : memref<10112x128xf32, #tpu.memory_space<vmem_shared>> -> memref<632x128xf32, #tpu.memory_space<vmem_shared>>
      tpu.enqueue_dma source(%dma_start3A_200 : memref<632x128xf32, #tpu.memory_space<vmem_shared>>) target(%dma_start3A_198 : memref<632x128xf32, #tpu.memory_space<hbm>>) target_semaphore(%run_scoped3A : memref<!tpu.dma_semaphore, #tpu.memory_space<semaphore_mem>>)
      %dma_wait3A_201 = arith.constant 0 : i32
      %dma_wait3A_202 = tpu.memref_slice %arg5[%arg0, %mul3A_195, %dma_wait3A_201] : memref<2x10112x128xf32, #tpu.memory_space<hbm>> -> memref<1x632x128xf32, #tpu.memory_space<hbm>>
      %dma_wait3A_203 = tpu.memref_squeeze %dma_wait3A_202 : memref<1x632x128xf32, #tpu.memory_space<hbm>> -> memref<632x128xf32, #tpu.memory_space<hbm>>
      %dma_wait3A_204 = arith.constant 0 : i32
      %dma_wait3A_205 = tpu.memref_slice %arg10[%mul3A_193, %dma_wait3A_204] : memref<10112x128xf32, #tpu.memory_space<vmem_shared>> -> memref<632x128xf32, #tpu.memory_space<vmem_shared>>
      tpu.wait_dma2 semaphore(%run_scoped3A : memref<!tpu.dma_semaphore, #tpu.memory_space<semaphore_mem>>) src(%dma_wait3A_205 : memref<632x128xf32, #tpu.memory_space<vmem_shared>>) dst(%dma_wait3A_203 : memref<632x128xf32, #tpu.memory_space<hbm>>)
      tpu.yield
    }) : () -> ()
    return
  }
}

module attributes {stable_mosaic.version = 14 : i64} {
  func.func @body(%arg0: i32, %arg1: memref<2x2000x128xf32, #tpu.memory_space<vmem>>, %arg2: memref<128x128xf32, #tpu.memory_space<vmem>>, %arg3: memref<2000x128xf32, #tpu.memory_space<vmem>>) attributes {dimension_semantics = [#tpu.dimension_semantics<arbitrary>], iteration_bounds = array<i64: 5>, scalar_prefetch = 0 : i64, scratch_operands = 0 : i64, tpu.core_type = #tpu.core_type<tc>, window_params = [{transform_indices = @transform_0, window_bounds = array<i64: 2, 2000, 128>}, {pipeline_mode = #tpu.pipeline_mode<synchronous>, transform_indices = @transform_1, window_bounds = array<i64: 128, 128>}, {transform_indices = @transform_2, window_bounds = array<i64: 2000, 128>}]} {
    %get3A = arith.constant 0 : index
    %get3A_0 = arith.constant 0 : index
    %get3A_1 = arith.constant 0 : index
    %get3A_2 = vector.load %arg1[%get3A, %get3A_0, %get3A_1] : memref<2x2000x128xf32, #tpu.memory_space<vmem>>, vector<1x2000x128xf32>
    %get3A_3 = vector.shape_cast %get3A_2 : vector<1x2000x128xf32> to vector<2000x128xf32>
    %get3A_4 = arith.constant 1 : index
    %get3A_5 = arith.constant 0 : index
    %get3A_6 = arith.constant 0 : index
    %get3A_7 = vector.load %arg1[%get3A_4, %get3A_5, %get3A_6] : memref<2x2000x128xf32, #tpu.memory_space<vmem>>, vector<1x2000x128xf32>
    %get3A_8 = vector.shape_cast %get3A_7 : vector<1x2000x128xf32> to vector<2000x128xf32>
    %add3A = arith.addf %get3A_3, %get3A_8 : vector<2000x128xf32>
    %get3A_9 = arith.constant 0 : index
    %get3A_10 = arith.constant 0 : index
    %get3A_11 = vector.load %arg2[%get3A_9, %get3A_10] : memref<128x128xf32, #tpu.memory_space<vmem>>, vector<128x128xf32>
    %dot_general3A = arith.constant dense<0.000000e+00> : vector<2000x128xf32>
    %dot_general3A_12 = tpu.matmul %add3A, %get3A_11, %dot_general3A {dimension_numbers = #tpu.dot_dimension_numbers<[1], [0], [0], [1], [0, 0, 1, 1], [], []>, transpose_lhs_hint = false} : vector<2000x128xf32>, vector<128x128xf32>, vector<2000x128xf32> -> vector<2000x128xf32>
    %max3A = arith.constant 0.000000e+00 : f32
    %max3A_13 = vector.broadcast %max3A : f32 to vector<2000x128xf32>
    %max3A_14 = arith.maximumf %dot_general3A_12, %max3A_13 : vector<2000x128xf32>
    %swap3A = arith.constant 0 : index
    %swap3A_15 = arith.constant 0 : index
    %swap3A_16 = vector.load %arg3[%swap3A, %swap3A_15] : memref<2000x128xf32, #tpu.memory_space<vmem>>, vector<2000x128xf32>
    tpu.vector_store %arg3[%swap3A, %swap3A_15], %max3A_14 {strides = array<i32>} : memref<2000x128xf32, #tpu.memory_space<vmem>>, vector<2000x128xf32>,
    return
  }
  func.func @transform_0(%arg0: i32) -> (i32, i32, i32) {
    %c0_i32 = arith.constant 0 : i32
    %c0_i32_0 = arith.constant 0 : i32
    %c0_i32_1 = arith.constant 0 : i32
    return %c0_i32, %arg0, %c0_i32_0 : i32, i32, i32
  }
  func.func @transform_1(%arg0: i32) -> (i32, i32) {
    %c0_i32 = arith.constant 0 : i32
    %c0_i32_0 = arith.constant 0 : i32
    %c0_i32_1 = arith.constant 0 : i32
    return %c0_i32, %c0_i32_0 : i32, i32
  }
  func.func @transform_2(%arg0: i32) -> (i32, i32) {
    %c0_i32 = arith.constant 0 : i32
    %c0_i32_0 = arith.constant 0 : i32
    return %arg0, %c0_i32 : i32, i32
  }
}

</mosaic_0001>

<sc_bundles>
// kernel: kernel.4.cloned.1.call-start
scs
__scs_entry_jumppad:
0x0: {  	(pc) =	sbr.rel $0x88, $3  }
0x1: {  	(tag) =	ssettag $0x0;
	lr =	simm.s32 $0x1  }
0x2: {  	[smem:$0x3F9E] =	sst lr;
	_ =	strace $0xD0000000  }
0x3: {  	_ = 	snop  }
0x4: {  	_ = 	snop  }
0x5: {  	_ = 	snop  }
0x6: {  	_ = 	snop  }
0x7: {  	_ = 	snop  }
__scs_overlays_trampoline_lowered:
0x8: {  	[smem:$0x3FAD] =	sst s0  }
0x9: {  	[smem:$0x3FAE] =	sst s1  }
0xa: {  	[smem:$0x3FAF] =	sst s2  }
0xb: {  	[smem:$0x3FB0] =	sst s3  }
0xc: {  	[smem:$0x3FB1] =	sst s4  }
0xd: {  	[smem:$0x3FB2] =	sst s5  }
0xe: {  	[smem:$0x3FB3] =	sst s6  }
0xf: {  	[smem:$0x3FB4] =	sst s7  }
0x10: {  	[smem:$0x3FB5] =	sst s8  }
0x11: {  	[smem:$0x3FB6] =	sst s9;
	s0 =	simm.s32 @!p0 $0x0  }
0x12: {  	s1 =	sld [smem:$0x3F9C];
	s0 =	simm.s32 @p0 $0x1  }
0x13: {  	[smem:$0x3FB7] =	sst s0;
	s0 =	simm.s32 @!p1 $0x0  }
0x14: {  	s2 =	sld [smem:$0x3F9B];
	s0 =	simm.s32 @p1 $0x1  }
0x15: {  	[smem:$0x3FB8] =	sst s0;
	s0 =	simm.s32 @!p2 $0x0  }
0x16: {  	s3 =	sld [smem:$0x3FDB];
	s0 =	simm.s32 @p2 $0x1  }
0x17: {  	s4 =	simm.s32 $0x1BF5;
	[smem:$0x3FBA] =	sst s0  }
0x18: {  	s0 =	sld [smem:$0x3F9D];
	_ =	swait.ge [sflag:s4], $0x0  }
0x19: {  	s7 =	sld [smem:$0x3F9E]  }
0x1a: {  	s8 =	sadd.s32 $0xFFFFE003, lr  }
0x1b: {  	s9 =	sadd.s32 $0xFFFFFEF7, lr;
	s5 =	simm.s32 $0xFFFFFFFF;
	p2 =	slt.u32 s8, $0xFFFFF086  }
0x1c: {  	p1 =	slt.u32 s9, $0xF7A;
	s5 =	simm.s32 @!p2 $0x0  }
0x1d: {  	s5 =	simm.s32 @p1 $0x1;
	p0 =	seq.s32 s7, s2  }
0x1e: {  	s7 =	smul.u32 @!p0 $0xF7A, s2;
	p2 =	seq.s32 @!p0 s5, $0x0  }
0x1f: {  	s9 =	smul.u32 $0xF7A, s1;
	s8 =	simm.s32 @!p0 $0x1BF5;
	p2 =	por !p2, p0  }
0x20: {  	[sflag:s8] =	ssyncset.s32 @!p0 $0xFFFFF086;
	s6 =	sadd.s32 @!p0 s3, s7;
	s7 =	simm.s32 @!p0 $0x108  }
0x21: {  	s3 =	sadd.s32 s3, s9;
	s6 =	sadd.s32 @!p0 $0x88, s6;
	s7 =	simm.s32 @p2 $0x1082  }
0x22: {  	[simem:s7], [sflag:s8] =	dma.local @!p0 [hbm:s6], $0xF7A  }
0x23: {  	s9 =	sor.u32 $0xD0000000, s2;
	s6 =	simm.s32 $0x108;
	_ =	swait.ge @!p0 [sflag:s8], $0x0  }
0x24: {  	s3 =	sadd.s32 $0x88, s3;
	s6 =	simm.s32 @!p1 $0x1082;
	[sflag:s4] =	ssyncset.s32 $0xFFFFF086  }
0x25: {  	[simem:s6], [sflag:s4] =	dma.local [hbm:s3], $0xF7A  }
0x26: {  	[smem:$0x3F9E] =	sst s1;
	(tag) =	ssettag s2;
	_ =	strace s9  }
0x27: {  	s1 =	sld [smem:$0x3FAE]  }
0x28: {  	s2 =	sld [smem:$0x3FAF]  }
0x29: {  	s4 =	sld [smem:$0x3FB1]  }
0x2a: {  	p0 =	seq.s32 s5, $0x0;
	s5 =	sld [smem:$0x3FB2]  }
0x2b: {  	s6 =	sld [smem:$0x3FB3]  }
0x2c: {  	s7 =	sld [smem:$0x3FB4]  }
0x2d: {  	s3 =	simm.s32 $0x108;
	s8 =	sld [smem:$0x3FB5]  }
0x2e: {  	s3 =	simm.s32 @!p0 $0x1082;
	s9 =	sld [smem:$0x3FB6]  }
0x2f: {  	lr =	sadd.s32 s0, s3;
	s0 =	sld [smem:$0x3FAD]  }
0x30: {  	s3 =	sld [smem:$0x3FB0]  }
0x31: {  	[smem:$0x3FB9] =	sst s10  }
0x32: {  	s10 =	sld [smem:$0x3FB7];
	_ =	sdelay $0x3  }
0x33: {  	p0 =	seq.s32 s10, $0x1;
	s10 =	sld [smem:$0x3FB9];
	_ =	sdelay $0x3  }
0x34: {  	[smem:$0x3FB9] =	sst s10  }
0x35: {  	s10 =	sld [smem:$0x3FB8];
	_ =	sdelay $0x3  }
0x36: {  	p1 =	seq.s32 s10, $0x1;
	s10 =	sld [smem:$0x3FB9];
	_ =	sdelay $0x3  }
0x37: {  	[smem:$0x3FB9] =	sst s10  }
0x38: {  	s10 =	sld [smem:$0x3FBA]  }
0x39: {  	_ = 	snop;
	(pc) =	sbr.ind lr, $3  }
0x3a: {  	_ = 	snop  }
0x3b: {  	_ = 	snop  }
0x3c: {  	p2 =	seq.s32 s10, $0x1;
	s10 =	sld [smem:$0x3FB9]  }
0x3d: {  	_ =	shalt  }
0x3e: {  	_ =	shalt  }
0x3f: {  	_ =	shalt  }
0x40: {  	_ =	shalt  }
0x41: {  	_ =	shalt  }
0x42: {  	_ =	shalt  }
0x43: {  	_ =	shalt  }
0x44: {  	_ =	shalt  }
0x45: {  	_ =	shalt  }
0x46: {  	_ =	shalt  }
0x47: {  	_ =	shalt  }
0x48: {  	_ =	shalt  }
0x49: {  	_ =	shalt  }
0x4a: {  	_ =	shalt  }
0x4b: {  	_ =	shalt  }
0x4c: {  	_ =	shalt  }
0x4d: {  	_ =	shalt  }
0x4e: {  	_ =	shalt  }
0x4f: {  	_ =	shalt  }
0x50: {  	_ =	shalt  }
0x51: {  	_ =	shalt  }
0x52: {  	_ =	shalt  }
0x53: {  	_ =	shalt  }
0x54: {  	_ =	shalt  }
0x55: {  	_ =	shalt  }
0x56: {  	_ =	shalt  }
0x57: {  	_ =	shalt  }
0x58: {  	_ =	shalt  }
0x59: {  	_ =	shalt  }
0x5a: {  	_ =	shalt  }
0x5b: {  	_ =	shalt  }
0x5c: {  	_ =	shalt  }
0x5d: {  	_ =	shalt  }
0x5e: {  	_ =	shalt  }
0x5f: {  	_ =	shalt  }
0x60: {  	_ =	shalt  }
0x61: {  	_ =	shalt  }
0x62: {  	_ =	shalt  }
0x63: {  	_ =	shalt  }
0x64: {  	_ =	shalt  }
0x65: {  	_ =	shalt  }
0x66: {  	_ =	shalt  }
0x67: {  	_ =	shalt  }
0x68: {  	_ =	shalt  }
0x69: {  	_ =	shalt  }
0x6a: {  	_ =	shalt  }
0x6b: {  	_ =	shalt  }
0x6c: {  	_ =	shalt  }
0x6d: {  	_ =	shalt  }
0x6e: {  	_ =	shalt  }
0x6f: {  	_ =	shalt  }
0x70: {  	_ =	shalt  }
0x71: {  	_ =	shalt  }
0x72: {  	_ =	shalt  }
0x73: {  	_ =	shalt  }
0x74: {  	_ =	shalt  }
0x75: {  	_ =	shalt  }
0x76: {  	_ =	shalt  }
0x77: {  	_ =	shalt  }
0x78: {  	_ =	shalt  }
0x79: {  	_ =	shalt  }
0x7a: {  	_ =	shalt  }
0x7b: {  	_ =	shalt  }
0x7c: {  	_ =	shalt  }
0x7d: {  	_ =	shalt  }
0x7e: {  	_ =	shalt  }
0x7f: {  	_ =	shalt  }
0x80: {  	_ =	shalt  }
0x81: {  	_ =	shalt  }
0x82: {  	_ =	shalt  }
0x83: {  	_ =	shalt  }
0x84: {  	_ =	shalt  }
0x85: {  	_ =	shalt  }
0x86: {  	_ =	shalt  }
0x87: {  	_ =	shalt  }
.Lfunc_end0:
.L_simem_size_0:
called_computation_lowered:
.L_overlay_start_0:
0x88: {  	s2 =	sld [smem:$0x3FD9]  }
0x89: {  	s3 =	sld [smem:$0x3FFE];
	_ =	sdelay $0x1  }
0x8a: {  	s1 =	srdreg.scid  }
0x8b: {  	s0 =	sand.u32 $0x1, s1  }
0x8c: {  	s17 =	sshll.u32 s0, $0xA;
	s2 =	sadd.s32 s3, s2  }
0x8d: {  	s2 =	sadd.s32 s2, s17  }
0x8e: {  	[smem:$0x3FC5] =	sst s2  }
0x8f: {  	_ = 	snop  }
0x90: {  	s2 =	sld [smem:$0x3FC9]  }
0x91: {  	s18 =	sld [smem:$0x3FD0];
	(tm) =	ssettm $0x1  }
0x92: {  	s4 =	sld [smem:$0x3FFB];
	_ =	sdelay $0x3  }
0x93: {  	_ =	strace s4  }
0x94: {  	s4 =	sld [smem:$0x3FFC];
	_ =	sdelay $0x3  }
0x95: {  	_ =	strace s4  }
0x96: {  	s4 =	sld [smem:$0x3FFD];
	_ =	sdelay $0x3  }
0x97: {  	_ =	strace s4  }
0x98: {  	_ =	strace $0x8FFFFFFF  }
0x99: {  	s19 =	sld [smem:$0x3FDB];
	_ =	sdelay $0x1  }
0x9a: {  	s5 =	simm.s32 $_scs_section_size  }
0x9b: {  	s6 =	simm.s32 $_size__tile_overlayer_lowered;
	s7 =	simm.s32 $_tile_overlayer_lowered  }
0x9c: {  	s22 =	simm.s32 $0x1BFF;
	s21 =	sshll.u32 s7, $0x1;
	s4 =	sadd.s32 s5, s19  }
0x9d: {  	s8 =	simm.s32 $0x0;
	s20 =	sshll.u32 s6, $0x1;
	s6 =	sadd.s32 s21, s4  }
0x9e: {  	[timem:s8], [sflag:s22] =	dma.local [hbm:s6], s20  }
0x9f: {  	_ =	swait.ge [sflag:s22], s20  }
0xa0: {  	s5 =	ssub.s32 $0x0, s20;
	[sflag:s22] =	ssyncset.done $0x0  }
0xa1: {  	[sflag:s22] =	ssyncadd.s32 s5;
	_ =	sdelay $0x1  }
0xa2: {  	s23 =	simm.s32 $0x1B8B  }
0xa3: {  	_ =	swait.ge [sflag:s23], $0x1  }
0xa4: {  	[sflag:s23] =	ssyncset.done $0x0  }
0xa5: {  	s25 =	simm.s32 $0x1B8E;
	s24 =	sld [smem:$0x3FFE];
	[sflag:s23] =	ssyncadd.s32 $0xFFFFFFFF  }
0xa6: {  	s26 =	simm.s32 $execute0_lowered;
	[smem:$0x3FD2] =	sst s25  }
0xa7: {  	s6 =	sshll.u32 s26, $0x1;
	_ =	strace $0x80000046;
	[dreg:$0x1] =	wrdreg $0xFFFFFFFF  }
0xa8: {  	s28 =	simm.s32 $_size_execute0_lowered;
	s4 =	sadd.s32 s4, s6;
	[dreg:$0x0] =	wrdreg $0x0  }
0xa9: {  	s6 =	sshll.u32 s28, $0x1;
	[dreg:$0x2] =	wrdreg s4  }
0xaa: {  	[dreg:$0x3] =	wrdreg s6  }
0xab: {  	[dreg:$0x4] =	wrdreg $0xC0  }
0xac: {  	_ =	task [dreg:s8], $0x5FFFF  }
0xad: {  	[dreg:$0x1] =	wrdreg $0xFFFFFFFF  }
0xae: {  	[dreg:$0x0] =	wrdreg $0x60  }
0xaf: {  	[dreg:$0x2] =	wrdreg s2  }
0xb0: {  	[dreg:$0x3] =	wrdreg s24  }
0xb1: {  	[dreg:$0x4] =	wrdreg s18  }
0xb2: {  	[dreg:$0x5] =	wrdreg $0xBB800  }
0xb3: {  	[dreg:$0x6] =	wrdreg $0x9  }
0xb4: {  	_ =	task.clear_ibuf [dreg:s8], $0x7FFFF;
	_ =	strace $0x90000046  }
0xb5: {  	s29 =	simm.s32 $0x9;
	_ =	strace $0x80000048  }
0xb6: {  	_ =	swait.ge [sflag:s29], $0x1  }
0xb7: {  	[sflag:s29] =	ssyncadd.s32 $0xFFFFFFFF  }
0xb8: {  	_ =	strace $0x90000048  }
0xb9: {  	_ =	sfence  }
0xba: {  	s30 =	sld [smem:$0x0];
	_ =	sdelay $0x2  }
0xbb: {  	s31 =	sshll.u32 s1, $0xD;
	s1 =	sshrl.u32 s1, $0x2  }
0xbc: {  	s3 =	sand.u32 $0x4000, s31;
	s1 =	sadd.s32 s1, s30  }
0xbd: {  	s0 =	sor.u32 s3, s0;
	s1 =	sshll.u32 s1, $0x11  }
0xbe: {  	s0 =	sor.u32 s1, s0  }
0xbf: {  	s0 =	sadd.s32 $0x8F2B, s0  }
0xc0: {  	[sflag:s0] =	ssyncadd.remote.s32 $0x1  }
0xc1: {  	_ =	sfence.sel $0xFFFF  }
0xc2: {  	[dreg:$0x0] =	wrdreg $0xFFFFFFFF;
	(pc) =	sbr.abs _section_cstart, $3  }
0xc3: {  	[dreg:$0x1] =	wrdreg $0xFFFFFFFF  }
0xc4: {  	_ =	task.clear_ibuf [dreg:s8], $0x2FFFF;
	_ =	strace $0x9FFFFFFF  }
0xc5: {  	(tm) =	ssettm $0x7FFFFFFF  }
tec
execute0_lowered:
.L_overlay_start_1:
0x0: {  	(tag) =	ssettag $0x1  }
0x1: {  	s1 =	rddreg [dreg:$0x0]  }
0x2: {  	s0 =	rddreg [dreg:$0x1]  }
0x3: {  	s2 =	rddreg [dreg:$0x2]  }
0x4: {  	s3 =	rddreg [dreg:$0x3];
	s11 =	stileid.u32  }
0x5: {  	s4 =	srdreg.scid;
	s17 =	simm.s32 $0xB780;
	s7 =	smul.u32 $0x13C00, s11  }
0x6: {  	s28 =	simm.s32 $0x2;
	s29 =	simm.s32 $0x4;
	s9 =	smul.u32 $0x4F000, s11  }
0x7: {  	s30 =	simm.s32 $0x0;
	s5 =	sand.u32 $0x1, s4;
	s12 =	smul.u32 $0x2710, s11  }
0x8: {  	s4 =	simm.s32 $0x0;
	s6 =	smul.u32 $0x13C000, s5;
	s8 =	sshll.u32 s5, $0x4  }
0x9: {  	[smem:$0x7FF] =	sst s4;
	s18 =	ssub.s32 $0x2, s5;
	s5 =	smul.u32 $0x27100, s5  }
0xa: {  	s8 =	sor.u32 s11, s8;
	_ =	strace $0x80000047;
	s19 =	sshrl.u32 s18, $0x1  }
0xb: {  	s20 =	sshrl.u32 s9, $0x2;
	s6 =	sadd.s32 s7, s6;
	s8 =	smul.u32 $0x2710, s8  }
0xc: {  	s15 =	ssub.s32 s18, s19;
	s5 =	sadd.s32 s12, s5;
	s6 =	sshrl.u32 s6, $0x3  }
0xd: {  	s31 =	sadd.s32 $0xF0, s5;
	s15 =	smax.u32 s15, $0x1;
	s14 =	sadd.s32 s6, s0  }
0xe: {  	s10 =	sshrl.u32 s8, $0x3;
	s6 =	sadd.s32 s20, s3;
	s21 =	sadd.s32 $0x28, s8  }
0xf: {  	s22 =	sadd.s32 $0x78, s8;
	s0 =	sadd.s32 s0, s10;
	s7 =	sadd.s32 s2, s10  }
0x10: {  	s25 =	sadd.s32 $0xC8, s8;
	[dreg:$0x5] =	wrdreg s0;
	s24 =	sadd.s32 $0xA, s7  }
0x11: {  	s0 =	sshrl.u32 s21, $0x3;
	s26 =	sadd.s32 $0x14, s7;
	[dreg:$0x7] =	wrdreg s24  }
0x12: {  	s23 =	sshrl.u32 s22, $0x3;
	s0 =	sadd.s32 s2, s0;
	[dreg:$0x9] =	wrdreg s26  }
0x13: {  	s14 =	sadd.s32 $0x9E00, s14;
	[dreg:$0x6] =	wrdreg s0;
	s0 =	sadd.s32 s2, s23  }
0x14: {  	s13 =	sadd.s32 $0x1E, s7;
	[dreg:$0x8] =	wrdreg s0;
	s0 =	sshrl.u32 s25, $0x3  }
0x15: {  	s26 =	simm.s32 $0x28;
	s12 =	sadd.s32 s2, s0;
	s0 =	sshrl.u32 s31, $0x3  }
0x16: {  	v0 =	vimm.f32 $0.0e+00;
	s24 =	simm.s32 $0x3;
	s25 =	simm.s32 $0x1;
	s2 =	sadd.s32 s0, s2  }
.LBB2_1:
0x17: {  	s0 =	rddreg [dreg:$0x5]  }
0x18: {  	[tilespmem:s4], [sflag:$0x1] =	stream.linear.gather [hbm4b:s0+s4], $0x2710, $0x38;
	[tilespmem:$0x1F780] =	vst v63  }
0x19: {  	s5 =	simm.s32 $0x0;
	s0 =	simm.s32 $0x0  }
.LBB2_2:
0x1a: {  	p0 =	sne.s32 s5, $0xFC0  }
.Ltmp0:
0x1b: {  	_ = 	snop;
	(pc) =	sbr.rel @p0 .LBB2_2-.Ltmp0, $4  }
0x1c: {  	s8 =	sand.u32 $0xE00, s5  }
0x1d: {  	s16 =	sand.u32 $0x70, s0;
	s8 =	sshrl.u32 s8, $0x2  }
0x1e: {  	s8 =	sor.u32 s16, s8  }
0x1f: {  	s0 =	sadd.s32 $0x10, s0;
	s5 =	sadd.s32 $0x40, s5;
	[tilespmem:s8+$0xB780] =	vst v0  }
0x20: {  	s0 =	simm.s32 $0x1000;
	s5 =	sadd.s32 $0x0, s6  }
.LBB2_4:
0x21: {  	[spmem:s5] =	stream.linear.scatter [tilespmem:s17], [sflag:$0x3], $0x400, $0x38;
	[tilespmem:$0x1F780] =	vst v63  }
0x22: {  	s5 =	smov.u32 s0;
	p0 =	sne.s32 s0, $0x4E000  }
.Ltmp1:
0x23: {  	s0 =	sadd.s32 $0x1000, s0;
	(pc) =	sbr.rel @p0 .LBB2_4-.Ltmp1, $3  }
0x24: {  	_ =	sdelay $0x1  }
0x25: {  	s5 =	sshra.s32 s5, $0x2  }
0x26: {  	s5 =	sadd.s32 s5, s6  }
0x27: {  	[spmem:s5] =	stream.linear.scatter [tilespmem:s17], [sflag:$0x3], $0x400, $0x38;
	[tilespmem:$0x1F780] =	vst v63  }
0x28: {  	s0 =	simm.s32 $0x2780  }
0x29: {  	[tilespmem:s0], [sflag:$0x2] =	stream.linear.gather [hbm4b:s7+s4], $0x28, $0x38;
	[tilespmem:$0x1F780] =	vst v63  }
0x2a: {  	s11 =	rddreg [dreg:$0x6];
	s16 =	simm.s32 $0x2800  }
0x2b: {  	[tilespmem:s16], [sflag:$0x2] =	stream.linear.gather [hbm4b:s11+s4], $0x28, $0x38;
	[tilespmem:$0x1F780] =	vst v63  }
0x2c: {  	s18 =	rddreg [dreg:$0x7];
	s19 =	simm.s32 $0x2880  }
0x2d: {  	[tilespmem:s19], [sflag:$0x2] =	stream.linear.gather [hbm4b:s18+s4], $0x28, $0x38;
	[tilespmem:$0x1F780] =	vst v63  }
0x2e: {  	s20 =	rddreg [dreg:$0x8];
	s21 =	simm.s32 $0x2900  }
0x2f: {  	[tilespmem:s21], [sflag:$0x2] =	stream.linear.gather [hbm4b:s20+s4], $0x28, $0x38;
	[tilespmem:$0x1F780] =	vst v63  }
0x30: {  	s22 =	rddreg [dreg:$0x9];
	s23 =	simm.s32 $0x2980  }
0x31: {  	[tilespmem:s23], [sflag:$0x2] =	stream.linear.gather [hbm4b:s22+s4], $0x28, $0x38;
	[tilespmem:$0x1F780] =	vst v63  }
0x32: {  	s31 =	simm.s32 $0x2A00  }
0x33: {  	[tilespmem:s31], [sflag:$0x2] =	stream.linear.gather [hbm4b:s12+s4], $0x28, $0x38;
	[tilespmem:$0x1F780] =	vst v63  }
0x34: {  	s5 =	simm.s32 $0x2A80  }
0x35: {  	[tilespmem:s5], [sflag:$0x2] =	stream.linear.gather [hbm4b:s13+s4], $0x28, $0x38;
	[tilespmem:$0x1F780] =	vst v63  }
0x36: {  	_ =	swait.ge [sflag:s25], $0x2710  }
0x37: {  	[sflag:s25] =	ssyncset.done $0x0  }
0x38: {  	s8 =	simm.s32 $0x2B80;
	[sflag:s25] =	ssyncadd.s32 $0xFFFFD8F0  }
0x39: {  	[tilespmem:s8], [sflag:$0x1] =	stream.indirect.gather [hbm4b:s1+s26], $0x80, s4, s26, $0xb8;
	[tilespmem:$0x1F780] =	vst v63  }
0x3a: {  	s9 =	simm.s32 $0x3F80  }
0x3b: {  	[tilespmem:s9], [sflag:$0x1] =	stream.indirect.gather [hbm4b:s1+s26], $0x80, s26, s26, $0xb8;
	[tilespmem:$0x1F780] =	vst v63  }
0x3c: {  	s10 =	simm.s32 $0x50;
	s11 =	simm.s32 $0x5380  }
0x3d: {  	[tilespmem:s11], [sflag:$0x1] =	stream.indirect.gather [hbm4b:s1+s26], $0x80, s10, s26, $0xb8;
	[tilespmem:$0x1F780] =	vst v63  }
0x3e: {  	s16 =	simm.s32 $0x78;
	s18 =	simm.s32 $0x6780  }
0x3f: {  	[tilespmem:s18], [sflag:$0x1] =	stream.indirect.gather [hbm4b:s1+s26], $0x80, s16, s26, $0xb8;
	[tilespmem:$0x1F780] =	vst v63  }
0x40: {  	s19 =	simm.s32 $0xA0;
	s20 =	simm.s32 $0x7B80  }
0x41: {  	[tilespmem:s20], [sflag:$0x1] =	stream.indirect.gather [hbm4b:s1+s26], $0x80, s19, s26, $0xb8;
	[tilespmem:$0x1F780] =	vst v63  }
0x42: {  	s21 =	simm.s32 $0xC8;
	s22 =	simm.s32 $0x8F80  }
0x43: {  	[tilespmem:s22], [sflag:$0x1] =	stream.indirect.gather [hbm4b:s1+s26], $0x80, s21, s26, $0xb8;
	[tilespmem:$0x1F780] =	vst v63  }
0x44: {  	s23 =	simm.s32 $0xF0;
	s31 =	simm.s32 $0xA380  }
0x45: {  	[tilespmem:s31], [sflag:$0x1] =	stream.indirect.gather [hbm4b:s1+s26], $0x80, s23, s26, $0xb8;
	[tilespmem:$0x1F780] =	vst v63  }
0x46: {  	_ =	swait.ge [sflag:s24], $0x400  }
0x47: {  	s0 =	simm.s32 $0x4E;
	[sflag:s24] =	ssyncset.done $0x0  }
.LBB2_6:
0x48: {  	p0 =	sne.s32 s0, $0x1;
	s0 =	sadd.s32 $0xFFFFFFFF, s0;
	[sflag:s24] =	ssyncadd.s32 $0xFFFFFC00  }
.Ltmp2:
0x49: {  	(pc) =	sbr.rel @p0 .LBB2_6-.Ltmp2, $3  }
0x4a: {  	_ =	sdelay $0x1  }
0x4b: {  	_ =	swait.ge [sflag:s24], $0x400  }
0x4c: {  	[sflag:s24] =	ssyncset.done $0x0  }
0x4d: {  	s0 =	simm.s32 $0x6  }
0x4e: {  	s0 =	sand.u32 $0xFF, s0  }
0x4f: {  	s0 =	smul.u32 $0x25, s0;
	_ =	sdelay $0x1  }
0x50: {  	s0 =	sshrl.u32 s0, $0x8  }
0x51: {  	s5 =	ssub.s32 $0x6, s0  }
0x52: {  	s5 =	sand.u32 $0xFE, s5  }
0x53: {  	s5 =	sshrl.u32 s5, $0x1  }
0x54: {  	s0 =	sadd.s32 s0, s5  }
0x55: {  	[sflag:s24] =	ssyncadd.s32 $0xFFFFFC00;
	s21 =	simm.s32 $0x0;
	s0 =	sshrl.u32 s0, $0x2  }
0x56: {  	s31 =	simm.s32 $0x1;
	p1 =	por $0x1, $0x1;
	s0 =	smul.u32 $0x7, s0  }
0x57: {  	s20 =	simm.s32 $0x2;
	s19 =	simm.s32 $0x7;
	[bflag:$0x0] =	sbarrier.arrive $0xFFFF  }
0x58: {  	s8 =	smul.u32 $0x25, s21;
	p0 =	por @!p1 $0x0, $0x0;
	s0 =	ssub.s32 $0x6, s0  }
0x59: {  	s16 =	simm.s32 @!p1 $0x3;
	p0 =	por p0, p1;
	s0 =	sand.u32 $0xFF, s0  }
0x5a: {  	_ =	swait.ge @!p1 [sflag:s16], $0x1400;
	s8 =	sshrl.u32 s8, $0x8;
	s18 =	smul.u32 @!p0 $0x5000, s0  }
0x5b: {  	s22 =	simm.s32 @!p0 $0x28;
	[sflag:s16] =	ssyncset.done @!p1 $0x0;
	s23 =	ssub.s32 $0x0, s8  }
0x5c: {  	[sflag:s16] =	ssyncadd.s32 @!p1 $0xFFFFEC00;
	s23 =	sand.u32 $0xFE, s23;
	s18 =	sshrl.u32 @!p0 s18, $0x2  }
0x5d: {  	s5 =	simm.s32 $0xF0;
	s0 =	sshll.u32 @!p0 s0, $0x7;
	s16 =	sadd.s32 @!p0 $0x2B80, s18  }
0x5e: {  	[tilespmem:s16], [sflag:$0x1] =	stream.indirect.gather @!p0 [hbm4b:s1+s22], $0x80, s5, s22, $0xb8;
	[tilespmem:$0x1F780] =	vst v63  }
0x5f: {  	s18 =	sshrl.u32 s23, $0x1;
	s23 =	sadd.s32 @!p0 $0x2780, s0;
	s16 =	sand.u32 $0xFF, s19  }
0x60: {  	s0 =	sadd.s32 $0x5, s2;
	s22 =	sadd.s32 s8, s18;
	s5 =	smul.u32 $0x25, s16  }
0x61: {  	s18 =	simm.s32 $0x118;
	s8 =	sand.u32 $0xFC, s22;
	s16 =	smov.u32 s2  }
0x62: {  	s22 =	sshrl.u32 s5, $0x8;
	s5 =	sshrl.u32 s8, $0x2;
	s8 =	simm.s32 @!p0 $0x0  }
.LBB2_8:
0x63: {  	[tilespmem:s23], [sflag:$0x2] =	stream.linear.gather @!p0 [hbm4b:s16+s8], $0x28, $0x38;
	[tilespmem:$0x1F780] =	vst v63  }
0x64: {  	s8 =	smov.u32 s20;
	s16 =	smov.u32 s0  }
0x65: {  	s20 =	sadd.s32 $0x1, s20;
	s23 =	ssub.s32 s19, s22;
	_ =	swait.ge [sflag:s28], $0x28  }
0x66: {  	s5 =	smul.u32 $0x7, s5;
	s23 =	sand.u32 $0xFE, s23;
	[sflag:s28] =	ssyncset.done $0x0  }
0x67: {  	s9 =	smul.u32 $0x25, s31;
	p1 =	sne.s32 s20, $0xFA;
	[sflag:s28] =	ssyncadd.s32 $0xFFFFFFD8  }
0x68: {  	s23 =	sshrl.u32 s23, $0x1;
	s5 =	ssub.s32 s21, s5;
	_ =	swait.ge [sflag:s25], $0x1400  }
0x69: {  	p2 =	seq.s32 s31, $0x0;
	s5 =	sand.u32 $0xFF, s5;
	[sflag:s25] =	ssyncset.done $0x0  }
0x6a: {  	s21 =	sadd.s32 s22, s23;
	s22 =	sshll.u32 s5, $0x7;
	s5 =	smul.u32 $0x5000, s5  }
0x6b: {  	p0 =	sgt.u32 @!p2 s31, $0xF3;
	s21 =	sshrl.u32 s21, $0x2;
	[sflag:s25] =	ssyncadd.s32 $0xFFFFEC00  }
0x6c: {  	p0 =	por p0, p2;
	s21 =	smul.u32 $0x7, s21;
	s5 =	sshrl.u32 s5, $0x2  }
0x6d: {  	s10 =	simm.s32 @!p2 $0x3;
	s22 =	sadd.s32 $0x2780, s22;
	s5 =	sadd.s32 $0x2B80, s5  }
0x6e: {  	[spmem:s3] =	stream.indirect.scatter.add.f32 [tilespmem:s5], [sflag:$0x3], $0x80, s22, s26, $0xb8;
	[tilespmem:$0x1F780] =	vst v63  }
0x6f: {  	s5 =	ssub.s32 s19, s21;
	s22 =	simm.s32 @!p0 $0x28;
	s21 =	smov.u32 s31  }
0x70: {  	s9 =	sshrl.u32 s9, $0x8;
	s31 =	smov.u32 s8;
	s5 =	sand.u32 $0xFF, s5  }
0x71: {  	s8 =	smul.u32 @!p0 $0x5000, s5;
	s5 =	sshll.u32 @!p0 s5, $0x7  }
0x72: {  	s11 =	ssub.s32 s21, s9;
	s23 =	sadd.s32 @!p0 $0x2780, s5;
	_ =	swait.ge @!p2 [sflag:s10], $0x1400  }
0x73: {  	s19 =	sadd.s32 $0x6, s31;
	s5 =	sshrl.u32 @!p0 s8, $0x2;
	[sflag:s10] =	ssyncset.done @!p2 $0x0  }
0x74: {  	s8 =	sand.u32 $0xFE, s11;
	s5 =	sadd.s32 @!p0 $0x2B80, s5;
	[sflag:s10] =	ssyncadd.s32 @!p2 $0xFFFFEC00  }
0x75: {  	[tilespmem:s5], [sflag:$0x1] =	stream.indirect.gather @!p0 [hbm4b:s1+s22], $0x80, s18, s22, $0xb8;
	[tilespmem:$0x1F780] =	vst v63  }
.Ltmp3:
0x76: {  	_ = 	snop;
	(pc) =	sbr.rel @p1 .LBB2_8-.Ltmp3, $4  }
0x77: {  	s8 =	sshrl.u32 s8, $0x1;
	s5 =	sand.u32 $0xFF, s19  }
0x78: {  	s8 =	sadd.s32 s9, s8;
	s5 =	smul.u32 $0x25, s5  }
0x79: {  	s0 =	sadd.s32 $0x5, s0;
	s8 =	sand.u32 $0xFC, s8;
	s18 =	sadd.s32 $0x28, s18  }
0x7a: {  	s22 =	sshrl.u32 s5, $0x8;
	s5 =	sshrl.u32 s8, $0x2;
	s8 =	simm.s32 @!p0 $0x0  }
0x7b: {  	[tilespmem:s23], [sflag:$0x2] =	stream.linear.gather @!p0 [hbm4b:s16+s8], $0x28, $0x38;
	[tilespmem:$0x1F780] =	vst v63  }
0x7c: {  	s5 =	smul.u32 $0x7, s5  }
0x7d: {  	s10 =	ssub.s32 s19, s22;
	p0 =	seq.s32 s31, $0x0;
	s16 =	smul.u32 $0x25, s31  }
0x7e: {  	_ =	swait.ge [sflag:s28], $0x28;
	s8 =	sand.u32 $0xFE, s10;
	p1 =	sgt.u32 @!p0 s31, $0xF3  }
0x7f: {  	[sflag:s28] =	ssyncset.done $0x0;
	s5 =	ssub.s32 s21, s5;
	s8 =	sshrl.u32 s8, $0x1  }
0x80: {  	[sflag:s28] =	ssyncadd.s32 $0xFFFFFFD8;
	s5 =	sand.u32 $0xFF, s5;
	s8 =	sadd.s32 s22, s8  }
0x81: {  	_ =	swait.ge [sflag:s25], $0x1400;
	s9 =	smul.u32 $0x5000, s5;
	s8 =	sshrl.u32 s8, $0x2  }
0x82: {  	s5 =	sshll.u32 s5, $0x7;
	[sflag:s25] =	ssyncset.done $0x0;
	s8 =	smul.u32 $0x7, s8  }
0x83: {  	s5 =	sadd.s32 $0x2780, s5;
	[sflag:s25] =	ssyncadd.s32 $0xFFFFEC00;
	s9 =	sshrl.u32 s9, $0x2  }
0x84: {  	s9 =	sadd.s32 $0x2B80, s9;
	s11 =	ssub.s32 s19, s8;
	s8 =	sshrl.u32 s16, $0x8  }
0x85: {  	[spmem:s3] =	stream.indirect.scatter.add.f32 [tilespmem:s9], [sflag:$0x3], $0x80, s5, s26, $0xb8;
	[tilespmem:$0x1F780] =	vst v63  }
0x86: {  	p1 =	por p1, p0;
	s5 =	sand.u32 $0xFF, s11;
	s19 =	ssub.s32 s31, s8  }
0x87: {  	s9 =	simm.s32 @!p0 $0x3;
	s10 =	smul.u32 @!p1 $0x5000, s5;
	s16 =	sand.u32 $0xFE, s19  }
0x88: {  	s11 =	simm.s32 @!p1 $0x28;
	_ =	swait.ge @!p0 [sflag:s9], $0x1400;
	s20 =	sshrl.u32 s16, $0x1  }
0x89: {  	[sflag:s9] =	ssyncset.done @!p0 $0x0;
	s10 =	sshrl.u32 @!p1 s10, $0x2;
	s8 =	sadd.s32 s8, s20  }
0x8a: {  	[sflag:s9] =	ssyncadd.s32 @!p0 $0xFFFFEC00;
	s9 =	sadd.s32 @!p1 $0x2B80, s10;
	s8 =	sand.u32 $0xFC, s8  }
0x8b: {  	[tilespmem:s9], [sflag:$0x1] =	stream.indirect.gather @!p1 [hbm4b:s1+s11], $0x80, s18, s11, $0xb8;
	[tilespmem:$0x1F780] =	vst v63  }
0x8c: {  	s5 =	sshll.u32 @!p1 s5, $0x7;
	s8 =	sshrl.u32 s8, $0x2  }
0x8d: {  	s5 =	sadd.s32 @!p1 $0x2780, s5;
	s9 =	simm.s32 @!p1 $0x0;
	s8 =	smul.u32 $0x7, s8  }
0x8e: {  	[tilespmem:s5], [sflag:$0x2] =	stream.linear.gather @!p1 [hbm4b:s0+s9], $0x28, $0x38;
	[tilespmem:$0x1F780] =	vst v63  }
0x8f: {  	_ =	swait.ge [sflag:s28], $0x28;
	s21 =	ssub.s32 s31, s8  }
0x90: {  	[sflag:s28] =	ssyncset.done $0x0;
	s0 =	sand.u32 $0xFF, s21  }
0x91: {  	[sflag:s28] =	ssyncadd.s32 $0xFFFFFFD8;
	s22 =	smul.u32 $0x5000, s0  }
0x92: {  	_ =	swait.ge [sflag:s25], $0x1400  }
0x93: {  	s0 =	sshll.u32 s0, $0x7;
	[sflag:s25] =	ssyncset.done $0x0;
	s5 =	sshrl.u32 s22, $0x2  }
0x94: {  	s0 =	sadd.s32 $0x2780, s0;
	[sflag:s25] =	ssyncadd.s32 $0xFFFFEC00;
	s5 =	sadd.s32 $0x2B80, s5  }
0x95: {  	[spmem:s3] =	stream.indirect.scatter.add.f32 [tilespmem:s5], [sflag:$0x3], $0x80, s0, s26, $0xb8;
	[tilespmem:$0x1F780] =	vst v63  }
0x96: {  	s30 =	sadd.s32 $0x1, s30;
	_ =	swait.ge [sflag:s24], $0x1400  }
0x97: {  	s23 =	stileid.u32;
	p0 =	sne.s32 s30, s15;
	[sflag:s24] =	ssyncset.done $0x0  }
0x98: {  	s31 =	sshrl.u32 s6, $0x3;
	s0 =	sshll.u32 s23, $0x6;
	[sflag:s24] =	ssyncadd.s32 $0xFFFFEC00  }
.Ltmp4:
0x99: {  	s0 =	sor.u32 $0x1C04, s0;
	[bflag:$0x0] =	sbarrier.arrive $0xFFFF;
	(pc) =	sbr.rel @p0 .LBB2_1-.Ltmp4, $4  }
0x9a: {  	[hbm:s14], [sflag:s0] =	dma.local [spmem:s31], $0x2780  }
0x9b: {  	_ =	swait.ge [sflag:s29], $0x2780  }
0x9c: {  	[sflag:s29] =	ssyncset.done $0x0  }
0x9d: {  	[sflag:s29] =	ssyncadd.s32 $0xFFFFD880  }
0x9e: {  	_ =	sfence.sel $0x180000  }
0x9f: {  	[bflag:$0x0] =	sbarrier.arrive $0xFFFF  }
0xa0: {  	_ =	strace $0x90000047  }
0xa1: {  	s0 =	stileid.u32;
	[bflag:$0x2] =	sbarrier.arrive $0xFFFF  }
0xa2: {  	p0 =	sne.s32 s0, $0x0;
	s0 =	rddreg [dreg:$0x4]  }
0xa3: {  	s0 =	sadd.s32 @!p0 $0x100000, s0  }
0xa4: {  	[sflag:s0] =	ssyncadd.tile.s32 @!p0 $0x1;
	_ =	shalt  }
.Lfunc_end2:
_tile_overlayer_lowered:
.L_overlay_start_2:
0xa5: {  	(tag) =	ssettag $0x2  }
0xa6: {  	s0 =	rddreg [dreg:$0x0];
	s2 =	stileid.u32  }
0xa7: {  	s1 =	rddreg [dreg:$0x1];
	p0 =	sne.s32 s2, $0x0  }
0xa8: {  	s3 =	rddreg [dreg:$0x2];
	[bflag:$0x3] =	sbarrier.arrive $0xFFFF;
	s2 =	simm.s32 @!p0 $0x1C04  }
0xa9: {  	[timem:s3], [sflag:s2] =	dma.local @!p0 [hbm:s0], s1  }
0xaa: {  	s0 =	simm.s32 @!p0 $0x4  }
0xab: {  	_ =	swait.ge @!p0 [sflag:s0], s1  }
0xac: {  	s1 =	ssub.s32 @!p0 $0x0, s1;
	[sflag:s0] =	ssyncset.done @!p0 $0x0  }
0xad: {  	[sflag:s0] =	ssyncadd.s32 @!p0 s1  }
0xae: {  	[bflag:$0x3] =	sbarrier.arrive $0xFFFF  }
0xaf: {  	_ =	shalt  }

</sc_bundles>
